<compile_context>
chip_gen: v7x
topology: tpu7x:2x2x1
jax: 0.10.2.dev20260603
libtpu: 0.0.44.dev20260713+nightly
codegen_flags: <defaults>
</compile_context>

<pallas_src>
import functools

import jax
import jax.numpy as jnp
from jax.experimental import pallas as pl
from jax.experimental.pallas import tpu as pltpu
from jax.experimental.pallas import tpu_sc as plsc

B, H, W = 4, 256, 256
BLK = 32
GB = H // BLK
NINST = GB * GB
P = B * NINST
NCLS = 20
NCH = 7
EPS = 1e-8

SC_CORES = 2
SC_SUBCORES = 16
SC_LANES = 16
NW = SC_CORES * SC_SUBCORES


def _mm(a, b):
    return jax.lax.dot_general(a, b, (((1,), (0,)), ((), ())),
                               preferred_element_type=jnp.float32)



def _sc_size_partials(tgt2d, sp_flat):
    mesh = plsc.VectorSubcoreMesh(core_axis_name="c", subcore_axis_name="s")

    @functools.partial(
        pl.kernel, mesh=mesh,
        out_type=jax.ShapeDtypeStruct((NW, SC_LANES), jnp.float32),
        scratch_types=[
            pltpu.VMEM((SC_LANES,), jnp.int32),
            pltpu.VMEM((SC_LANES,), jnp.float32),
            pltpu.VMEM((SC_LANES,), jnp.float32),
            pltpu.VMEM((SC_LANES,), jnp.float32),
            pltpu.SemaphoreType.DMA,
        ],
    )
    def k(tgt_hbm, sp_hbm, out_hbm, idx_v, ts_v, spv_v, res_v, sem):
        wid = jax.lax.axis_index("s") * SC_CORES + jax.lax.axis_index("c")
        b = wid // GB
        by = wid - b * GB
        y = BLK // 2 + BLK * by
        pltpu.sync_copy(sp_hbm.at[pl.ds(wid * SC_LANES, SC_LANES)], spv_v)
        lane = jax.lax.iota(jnp.int32, SC_LANES)
        one = jnp.full((SC_LANES,), 1, jnp.int32)
        row_sel = jax.lax.bitwise_and(lane, one)
        pidl = jax.lax.shift_right_logical(lane, one)
        col = (jnp.full((SC_LANES,), BLK // 2, jnp.int32)
               + jnp.full((SC_LANES,), BLK, jnp.int32) * pidl)
        row = (jnp.full((SC_LANES,), (NCH * b + 3) * H + y, jnp.int32)
               + row_sel * jnp.full((SC_LANES,), H, jnp.int32))
        idx_v[...] = row * jnp.full((SC_LANES,), W, jnp.int32) + col
        pltpu.async_copy(tgt_hbm.at[idx_v], ts_v, sem).wait()
        ts = ts_v[...]
        eps_v = jnp.full((SC_LANES,), EPS, jnp.float32)
        res_v[...] = jnp.abs(ts - spv_v[...]) / (ts + eps_v)
        pltpu.sync_copy(res_v, out_hbm.at[wid])

    return k(tgt2d, sp_flat)



def _loss_kernel(heat_ref, g_ref, ti_ref, *rest):
    row_refs = rest[:GB]
    pm_ref, sem_ref, out_ref, acc_ref, c5_ref = rest[GB:]
    f32 = jnp.float32
    b = pl.program_id(0)

    xi = jax.lax.broadcasted_iota(jnp.int32, (BLK, W), 1) // BLK

    y8 = jax.lax.broadcasted_iota(jnp.int32, (W, GB), 0)
    j8 = jax.lax.broadcasted_iota(jnp.int32, (W, GB), 1)
    S = (y8 == j8 * BLK + BLK // 2).astype(f32)

    @pl.when(b == 0)
    def _init():
        acc_ref[...] = jnp.zeros_like(acc_ref)

    ctr = jnp.zeros((1, W), f32)
    npos = jnp.zeros((1, W), f32)
    shp = jnp.zeros((1, W), f32)
    for by in range(GB):
        g = g_ref[0, pl.ds(BLK * by, BLK), :]
        p = heat_ref[0, pl.ds(BLK * by, BLK), :]
        ti = ti_ref[0, pl.ds(BLK * by, BLK), :]

        posm = (g == 1.0).astype(f32)
        om = 1.0 - g
        w4 = (om * om) * (om * om)
        c = posm * jnp.log(p + EPS) + w4 * jnp.log(1.0 - p + EPS)
        ctr += jnp.sum(c, axis=0, keepdims=True)
        npos += jnp.sum(posm, axis=0, keepdims=True)

        q = jnp.concatenate([pm_ref[0, by, bx] for bx in range(GB)], axis=1)

        iidf = (by * GB + xi).astype(f32)
        sgn = jnp.where(ti == iidf, 1.0, -1.0)
        z = (2.0 * q - 1.0) * sgn
        shp += jnp.sum(jnp.log(1.0 + jnp.exp(-z)), axis=0, keepdims=True)

    acc_ref[0:1, :] += ctr
    acc_ref[1:2, :] += npos
    acc_ref[2:3, :] += shp

    rows = jnp.concatenate([row_refs[i][0, 0:1, :] for i in range(GB)], axis=0)
    c5_ref[pl.ds(GB * b, GB), :] = _mm(rows, S)

    @pl.when(b == B - 1)
    def _finish():
        ctr_sum = jnp.sum(acc_ref[0:1, :])
        num_pos = jnp.sum(acc_ref[1:2, :])
        shape_sum = jnp.sum(acc_ref[2:3, :])
        loss_center = -ctr_sum / num_pos
        loss_shape = shape_sum / float(P * BLK * BLK)

        pid = jax.lax.broadcasted_iota(jnp.int32, (P, B * GB), 0)
        r32 = jax.lax.broadcasted_iota(jnp.int32, (P, B * GB), 1)
        A = (r32 == pid // GB).astype(f32)
        jp = jax.lax.broadcasted_iota(jnp.int32, (P, GB), 0) % GB
        jc = jax.lax.broadcasted_iota(jnp.int32, (P, GB), 1)
        jm = jc == jp
        labf = jnp.sum(jnp.where(jm, _mm(A, c5_ref[...]), 0.0),
                       axis=1, keepdims=True)
        lab_i = labf.astype(jnp.int32)

        s = sem_ref[...]
        m = jnp.max(s, axis=1, keepdims=True)
        lse2 = jnp.log(jnp.sum(jnp.exp(s - m), axis=1, keepdims=True))
        cidx = jax.lax.broadcasted_iota(jnp.int32, (P, NCLS), 1)
        selv = jnp.sum(jnp.where(cidx == lab_i, s, 0.0), axis=1, keepdims=True)
        loss_class = jnp.sum(m + lse2 - selv) / float(P)

        lane = jax.lax.broadcasted_iota(jnp.int32, (1, 4), 1)
        out_ref[...] = jnp.where(lane == 0, loss_center,
                       jnp.where(lane == 2, loss_shape,
                       jnp.where(lane == 3, loss_class, 0.0)))


def kernel(heatmap, size_pred, semantic, instance_masks, target, center_mask,
           instance_boxes):
    del center_mask
    del instance_boxes
    tgt = target.astype(jnp.float32)
    tgt3 = tgt.reshape(B * NCH, H, W)
    pm5 = instance_masks.reshape(B, GB, GB, BLK, BLK)

    sc_parts = _sc_size_partials(tgt.reshape(B * NCH * H * W),
                                 size_pred.reshape(P * 2))

    def ch(c):
        return pl.BlockSpec((1, H, W), lambda b, c=c: (NCH * b + c, 0, 0))

    def ch_row(c, i):
        return pl.BlockSpec((1, GB, W),
                            lambda b, c=c, i=i: (NCH * b + c, 4 * i + 2, 0))

    tc = pl.pallas_call(
        _loss_kernel,
        grid=(B,),
        in_specs=[
            pl.BlockSpec((1, H, W), lambda b: (b, 0, 0)),
            ch(0), ch(1),
            *[ch_row(5, i) for i in range(GB)],
            pl.BlockSpec((1, GB, GB, BLK, BLK), lambda b: (b, 0, 0, 0, 0)),
            pl.BlockSpec((P, NCLS), lambda b: (0, 0)),
        ],
        out_specs=pl.BlockSpec((1, 4), lambda b: (0, 0)),
        out_shape=jax.ShapeDtypeStruct((1, 4), jnp.float32),
        scratch_shapes=[
            pltpu.VMEM((8, W), jnp.float32),
            pltpu.VMEM((B * GB, GB), jnp.float32),
        ],
    )(heatmap.reshape(B, H, W), tgt3, tgt3, *([tgt3] * GB), pm5, semantic)

    return tc.reshape(4).at[1].add(jnp.sum(sc_parts) * (1.0 / P))

# --- scband reference (transcript-rebuilt; emitter-appended) ---
"""Pipeline reference for scband-pa-ps-loss-11433202942230 (READ-ONLY COPY).

The authoritative reference and input builder live on the scoring server;
editing this copy changes nothing except your own understanding.
"""

import jax, jax.numpy as jnp
import numpy as np

B, H, W = 4, 256, 256
BLK = 32
GB = H // BLK
NINST = GB * GB
P = B * NINST
NCLS = 20
EPS = 1e-8
ALPHA = 0
BETA = 4
GAMMA = 0
L_CENTER = L_SIZE = L_SHAPE = L_CLASS = 1.0


def setup_inputs(seed: int = 0):
    key = jax.random.key(seed)
    ks = jax.random.split(key, 8)
    rng = np.random.RandomState(0)
    ys, xs = np.meshgrid(np.arange(H), np.arange(W), indexing='ij')
    zones1 = ((ys // BLK) * GB + (xs // BLK)).astype(np.float32)
    zones = np.broadcast_to(zones1, (B, H, W)).copy()
    true_inst = np.roll(zones, shift=(8, 8), axis=(1, 2))
    heat_t = rng.rand(B, H, W).astype(np.float32) * 0.97 + 0.01
    center_mask = np.zeros((B, H, W), dtype=bool)
    cs = np.arange(GB) * BLK + BLK // 2
    for b in range(B):
        for i in cs:
            for j in cs:
                center_mask[b, i, j] = True
                heat_t[b, i, j] = 1.0
    size_t = (rng.rand(B, 2, H, W).astype(np.float32) * 31.0) + 1.0
    sem_obj = rng.randint(0, NCLS, size=(B, H, W)).astype(np.float32)
    sem_pix = rng.randint(0, NCLS, size=(B, H, W)).astype(np.float32)
    target = np.concatenate([heat_t[:, None], true_inst[:, None], zones[:, None],
                             size_t, sem_obj[:, None], sem_pix[:, None]], axis=1).astype(np.float32)
    boxes = []
    for b in range(B):
        for by in range(GB):
            for bx in range(GB):
                boxes.append([bx * BLK, by * BLK, bx * BLK + BLK, by * BLK + BLK])
    boxes = np.asarray(boxes, dtype=np.int64)
    heatmap = jax.random.uniform(ks[0], (B, H, W), jnp.float32, 0.01, 0.99)
    size_pred = jax.random.uniform(ks[1], (P, 2), jnp.float32, 1.0, 32.0)
    semantic = jax.random.normal(ks[2], (P, NCLS), dtype=jnp.float32)
    instance_masks = jax.random.uniform(ks[3], (P, BLK, BLK), jnp.float32, 0.01, 0.99)
    return {"heatmap": heatmap, "size_pred": size_pred, "semantic": semantic,
            "instance_masks": instance_masks, "target": jnp.asarray(target),
            "center_mask": jnp.asarray(center_mask), "instance_boxes": jnp.asarray(boxes)}


def _structure(t_np, cm_np, boxes_np):
    nz = np.argwhere(cm_np)
    mapping = {(int(b), int(i), int(j)): k for k, (b, i, j) in enumerate(nz)}
    cb, cy, cx = nz[:, 0], nz[:, 1], nz[:, 2]
    true_inst = t_np[:, 1]
    zones = t_np[:, 2]
    pred_ids = []
    crops = []
    for b in range(cm_np.shape[0]):
        for inst_id in np.unique(true_inst[b]):
            centers = cm_np[b] & (zones[b] == inst_id)
            if not centers.any():
                continue
            tm = (true_inst[b] == inst_id).astype(np.float32)
            for (y, x) in np.argwhere(centers):
                pid = mapping[(int(b), int(y), int(x))]
                xtl, ytl, xbr, ybr = boxes_np[pid]
                crops.append(tm[ytl:ybr, xtl:xbr].reshape(-1))
                pred_ids.append(pid)
    labels = t_np[:, 5][cb, cy, cx].astype(np.int64)
    return cb, cy, cx, labels, np.asarray(pred_ids, dtype=np.int64), np.concatenate(crops).astype(np.int64)


def _losses(heatmap, size_pred, semantic, instance_masks, target, cb, cy, cx, labels, pred_ids, crop_t):
    # CenterLoss (CornerNet-style focal heatmap loss)
    p = heatmap.reshape(-1)
    g = target[:, 0].reshape(-1)
    pos = g == 1.0
    neg = g < 1.0
    num_pos = jnp.sum(pos.astype(jnp.float32))
    pos_loss = jnp.sum(jnp.where(pos, jnp.log(p + EPS) * jnp.power(1.0 - p, ALPHA), 0.0))
    neg_loss = jnp.sum(jnp.where(neg, jnp.log(1.0 - p + EPS) * jnp.power(p, ALPHA) * jnp.power(1.0 - g, BETA), 0.0))
    loss_center = -(pos_loss + neg_loss) / num_pos
    # Size loss: relative L1 at centers
    size_perm = jnp.transpose(target[:, 3:5], (0, 2, 3, 1))
    true_size = size_perm[cb, cy, cx]
    loss_size = jnp.mean(jnp.sum(jnp.abs(true_size - size_pred) / (true_size + EPS), axis=-1))
    # Class loss: FocalLoss(gamma) over semantic logits at centers
    lp = jax.nn.log_softmax(semantic, axis=-1)
    logpt = jnp.take_along_axis(lp, jnp.asarray(labels)[:, None], axis=1)[:, 0]
    pt = jnp.exp(logpt)
    loss_class = jnp.mean(-jnp.power(1.0 - pt, GAMMA) * logpt)
    # Shape loss: FocalLoss(gamma=0) over concatenated [1-p, p] mask probs
    pm = instance_masks.reshape(instance_masks.shape[0], -1)[jnp.asarray(pred_ids)].reshape(-1, 1)
    preds2 = jnp.concatenate([1.0 - pm, pm], axis=1)
    lp2 = jax.nn.log_softmax(preds2, axis=-1)
    logpt2 = jnp.take_along_axis(lp2, jnp.asarray(crop_t)[:, None], axis=1)[:, 0]
    loss_shape = jnp.mean(-logpt2)
    return jnp.stack([L_CENTER * loss_center, L_SIZE * loss_size, L_SHAPE * loss_shape, L_CLASS * loss_class])


def reference(heatmap, size_pred, semantic, instance_masks, target, center_mask, instance_boxes):
    # Center coordinates follow the fixed block grid: one center per zone,
    # enumerated batch-major then row-major, matching np.argwhere order.
    cgrid = jnp.arange(GB) * BLK + BLK // 2
    cb = jnp.repeat(jnp.arange(B), NINST)
    cy = jnp.tile(jnp.repeat(cgrid, GB), B)
    cx = jnp.tile(jnp.tile(cgrid, GB), B)
    labels = target[:, 5][cb, cy, cx].astype(jnp.int64)
    labels = jnp.where(center_mask[cb, cy, cx], labels, 0)
    # Each zone id has exactly one center, so pred ids enumerate 0..P-1.
    pred_ids = jnp.arange(P)
    inst_ids = target[:, 2][cb, cy, cx]
    true_inst = target[:, 1]

    def crop_one(pid, bidx, iid):
        xtl = instance_boxes[pid, 0]
        ytl = instance_boxes[pid, 1]
        tm = jax.lax.dynamic_slice(true_inst[bidx], (ytl, xtl), (BLK, BLK))
        return (tm == iid).astype(jnp.int64).reshape(-1)

    crop_t = jax.vmap(crop_one)(pred_ids, cb, inst_ids).reshape(-1)
    return _losses(heatmap, size_pred, semantic, instance_masks, target, cb, cy, cx, labels, pred_ids, crop_t)

if __name__ == "__main__":
    import jax
    _d = setup_inputs()
    print(jax.jit(kernel)(*tuple(_d.values())))

</pallas_src>

<mosaic_0001>
#map = affine_map<(d0, d1) -> (0)>
#map1 = affine_map<(d0, d1) -> (0, 0)>
module attributes {stable_mosaic.version = 14 : i64} {
  func.func @k(%arg0: i32, %arg1: i32, %arg2: memref<1835008xf32, #tpu.memory_space<hbm>>, %arg3: memref<512xf32, #tpu.memory_space<hbm>>, %arg4: memref<32x16xf32, #tpu.memory_space<hbm>>, %arg5: memref<16xi32, #tpu.memory_space<vmem>>, %arg6: memref<16xf32, #tpu.memory_space<vmem>>, %arg7: memref<16xf32, #tpu.memory_space<vmem>>, %arg8: memref<16xf32, #tpu.memory_space<vmem>>, %arg9: memref<!tpu.dma_semaphore, #tpu.memory_space<semaphore_mem>>) attributes {dimension_semantics = [#tpu.dimension_semantics<core_parallel>, #tpu.dimension_semantics<subcore_parallel>], iteration_bounds = array<i64: 2, 16>, scalar_prefetch = 0 : i64, scratch_operands = 5 : i64, tpu.core_type = #tpu.core_type<sc_vector_subcore>, window_params = [{transform_indices = #map}, {transform_indices = #map}, {transform_indices = #map1}]} {
    %mul3A = arith.constant 2 : i32
    %mul3A_0 = arith.muli %arg1, %mul3A : i32
    %add3A = arith.addi %mul3A_0, %arg0 : i32
    %jit3A = arith.constant 8 : i32
    %div3A = arith.divsi %add3A, %jit3A : i32
    %sign3A = arith.constant 0 : i32
    %sign3A_1 = arith.cmpi sgt, %add3A, %sign3A : i32
    %sign3A_2 = arith.extui %sign3A_1 : i1 to i32
    %sign3A_3 = arith.constant 0 : i32
    %sign3A_4 = arith.cmpi slt, %add3A, %sign3A_3 : i32
    %sign3A_5 = arith.extui %sign3A_4 : i1 to i32
    %sign3A_6 = arith.subi %sign3A_2, %sign3A_5 : i32
    %sign3A_7 = arith.constant 0 : i32
    %sign3A_8 = arith.cmpi sgt, %jit3A, %sign3A_7 : i32
    %sign3A_9 = arith.extui %sign3A_8 : i1 to i32
    %sign3A_10 = arith.constant 0 : i32
    %sign3A_11 = arith.cmpi slt, %jit3A, %sign3A_10 : i32
    %sign3A_12 = arith.extui %sign3A_11 : i1 to i32
    %sign3A_13 = arith.subi %sign3A_9, %sign3A_12 : i32
    %ne3A = arith.cmpi ne, %sign3A_6, %sign3A_13 : i32
    %rem3A = arith.remsi %add3A, %jit3A : i32
    %ne3A_14 = arith.constant 0 : i32
    %ne3A_15 = arith.cmpi ne, %rem3A, %ne3A_14 : i32
    %and3A = arith.andi %ne3A, %ne3A_15 : i1
    %sub3A = arith.constant 1 : i32
    %sub3A_16 = arith.subi %div3A, %sub3A : i32
    %select_n3A = arith.select %and3A, %sub3A_16, %div3A : i32
    %mul3A_17 = arith.constant 8 : i32
    %mul3A_18 = arith.muli %select_n3A, %mul3A_17 : i32
    %sub3A_19 = arith.subi %add3A, %mul3A_18 : i32
    %mul3A_20 = arith.constant 32 : i32
    %mul3A_21 = arith.muli %mul3A_20, %sub3A_19 : i32
    %add3A_22 = arith.constant 16 : i32
    %add3A_23 = arith.addi %add3A_22, %mul3A_21 : i32
    %mul3A_24 = arith.constant 16 : i32
    %mul3A_25 = arith.muli %add3A, %mul3A_24 : i32
    "tpu.region"() ({
      %run_scoped3A = tpu.sem_alloc : memref<!tpu.dma_semaphore, #tpu.memory_space<semaphore_mem>>
      %dma_start3A_69 = tpu.memref_slice %arg3[%mul3A_25] : memref<512xf32, #tpu.memory_space<hbm>> -> memref<16xf32, #tpu.memory_space<hbm>>
      %dma_start3A_70 = tpu.memref_slice %arg3[%mul3A_25] : memref<512xf32, #tpu.memory_space<hbm>> -> memref<16xf32, #tpu.memory_space<hbm>>
      tpu.enqueue_dma source(%dma_start3A_70 : memref<16xf32, #tpu.memory_space<hbm>>) target(%arg7 : memref<16xf32, #tpu.memory_space<vmem>>) target_semaphore(%run_scoped3A : memref<!tpu.dma_semaphore, #tpu.memory_space<semaphore_mem>>)
      %dma_wait3A_71 = tpu.memref_slice %arg3[%mul3A_25] : memref<512xf32, #tpu.memory_space<hbm>> -> memref<16xf32, #tpu.memory_space<hbm>>
      %dma_wait3A_72 = tpu.memref_slice %arg3[%mul3A_25] : memref<512xf32, #tpu.memory_space<hbm>> -> memref<16xf32, #tpu.memory_space<hbm>>
      tpu.wait_dma2 semaphore(%run_scoped3A : memref<!tpu.dma_semaphore, #tpu.memory_space<semaphore_mem>>) src(%dma_wait3A_72 : memref<16xf32, #tpu.memory_space<hbm>>) dst(%arg7 : memref<16xf32, #tpu.memory_space<vmem>>)
      tpu.yield
    }) : () -> ()
    %iota3A = tpu.iota {dimensions = array<i32: 0>} : vector<16xi32>
    %broadcast_in_dim3A = arith.constant 1 : i32
    %broadcast_in_dim3A_26 = vector.broadcast %broadcast_in_dim3A : i32 to vector<16xi32>
    %and3A_27 = arith.andi %iota3A, %broadcast_in_dim3A_26 : vector<16xi32>
    %shift_right_logical3A = arith.shrui %iota3A, %broadcast_in_dim3A_26 : vector<16xi32>
    %broadcast_in_dim3A_28 = arith.constant 16 : i32
    %broadcast_in_dim3A_29 = vector.broadcast %broadcast_in_dim3A_28 : i32 to vector<16xi32>
    %broadcast_in_dim3A_30 = arith.constant 32 : i32
    %broadcast_in_dim3A_31 = vector.broadcast %broadcast_in_dim3A_30 : i32 to vector<16xi32>
    %mul3A_32 = arith.muli %broadcast_in_dim3A_31, %shift_right_logical3A : vector<16xi32>
    %add3A_33 = arith.addi %broadcast_in_dim3A_29, %mul3A_32 : vector<16xi32>
    %mul3A_34 = arith.constant 7 : i32
    %mul3A_35 = arith.muli %mul3A_34, %select_n3A : i32
    %add3A_36 = arith.constant 3 : i32
    %add3A_37 = arith.addi %mul3A_35, %add3A_36 : i32
    %mul3A_38 = arith.constant 256 : i32
    %mul3A_39 = arith.muli %add3A_37, %mul3A_38 : i32
    %add3A_40 = arith.addi %mul3A_39, %add3A_23 : i32
    %broadcast_in_dim3A_41 = vector.broadcast %add3A_40 : i32 to vector<16xi32>
    %broadcast_in_dim3A_42 = arith.constant 256 : i32
    %broadcast_in_dim3A_43 = vector.broadcast %broadcast_in_dim3A_42 : i32 to vector<16xi32>
    %mul3A_44 = arith.muli %and3A_27, %broadcast_in_dim3A_43 : vector<16xi32>
    %add3A_45 = arith.addi %broadcast_in_dim3A_41, %mul3A_44 : vector<16xi32>
    %broadcast_in_dim3A_46 = arith.constant 256 : i32
    %broadcast_in_dim3A_47 = vector.broadcast %broadcast_in_dim3A_46 : i32 to vector<16xi32>
    %mul3A_48 = arith.muli %add3A_45, %broadcast_in_dim3A_47 : vector<16xi32>
    %add3A_49 = arith.addi %mul3A_48, %add3A_33 : vector<16xi32>
    %swap3A = arith.constant 0 : index
    %swap3A_50 = tpu.vector_load %arg5[%swap3A] {strides = array<i32>} : memref<16xi32, #tpu.memory_space<vmem>>, vector<16xi32>,
    %swap3A_51 = vector.shape_cast %swap3A_50 : vector<16xi32> to vector<16xi32>
    %swap3A_52 = vector.shape_cast %add3A_49 : vector<16xi32> to vector<16xi32>
    tpu.vector_store %arg5[%swap3A], %swap3A_52 {strides = array<i32>} : memref<16xi32, #tpu.memory_space<vmem>>, vector<16xi32>,
    %dma_start3A = arith.constant 0 : i32
    %dma_start3A_53 = tpu.memref_slice %arg2[%dma_start3A] : memref<1835008xf32, #tpu.memory_space<hbm>> -> memref<1835008xf32, #tpu.memory_space<hbm>>
    tpu.enqueue_indirect_dma source(%dma_start3A_53 : memref<1835008xf32, #tpu.memory_space<hbm>>) target(%arg6 : memref<16xf32, #tpu.memory_space<vmem>>) offsets(%arg5 : memref<16xi32, #tpu.memory_space<vmem>>) semaphore(%arg9 : memref<!tpu.dma_semaphore, #tpu.memory_space<semaphore_mem>>)
    %dma_wait3A = arith.constant 0 : i32
    %dma_wait3A_54 = tpu.memref_slice %arg2[%dma_wait3A] : memref<1835008xf32, #tpu.memory_space<hbm>> -> memref<1835008xf32, #tpu.memory_space<hbm>>
    tpu.wait_indirect_dma semaphore(%arg9 : memref<!tpu.dma_semaphore, #tpu.memory_space<semaphore_mem>>) src(%dma_wait3A_54 : memref<1835008xf32, #tpu.memory_space<hbm>>) dst(%arg6 : memref<16xf32, #tpu.memory_space<vmem>>)
    %get3A = arith.constant 0 : index
    %get3A_55 = tpu.vector_load %arg6[%get3A] {strides = array<i32>} : memref<16xf32, #tpu.memory_space<vmem>>, vector<16xf32>,
    %get3A_56 = vector.shape_cast %get3A_55 : vector<16xf32> to vector<16xf32>
    %broadcast_in_dim3A_57 = arith.constant 9.99999993E-9 : f32
    %broadcast_in_dim3A_58 = vector.broadcast %broadcast_in_dim3A_57 : f32 to vector<16xf32>
    %get3A_59 = arith.constant 0 : index
    %get3A_60 = tpu.vector_load %arg7[%get3A_59] {strides = array<i32>} : memref<16xf32, #tpu.memory_space<vmem>>, vector<16xf32>,
    %get3A_61 = vector.shape_cast %get3A_60 : vector<16xf32> to vector<16xf32>
    %sub3A_62 = arith.subf %get3A_56, %get3A_61 : vector<16xf32>
    %abs3A = math.absf %sub3A_62 : vector<16xf32>
    %add3A_63 = arith.addf %get3A_56, %broadcast_in_dim3A_58 : vector<16xf32>
    %div3A_64 = arith.divf %abs3A, %add3A_63 : vector<16xf32>
    %swap3A_65 = arith.constant 0 : index
    %swap3A_66 = tpu.vector_load %arg8[%swap3A_65] {strides = array<i32>} : memref<16xf32, #tpu.memory_space<vmem>>, vector<16xf32>,
    %swap3A_67 = vector.shape_cast %swap3A_66 : vector<16xf32> to vector<16xf32>
    %swap3A_68 = vector.shape_cast %div3A_64 : vector<16xf32> to vector<16xf32>
    tpu.vector_store %arg8[%swap3A_65], %swap3A_68 {strides = array<i32>} : memref<16xf32, #tpu.memory_space<vmem>>, vector<16xf32>,
    "tpu.region"() ({
      %run_scoped3A = tpu.sem_alloc : memref<!tpu.dma_semaphore, #tpu.memory_space<semaphore_mem>>
      %dma_start3A_69 = arith.constant 0 : i32
      %dma_start3A_70 = tpu.memref_slice %arg4[%add3A, %dma_start3A_69] : memref<32x16xf32, #tpu.memory_space<hbm>> -> memref<1x16xf32, #tpu.memory_space<hbm>>
      %dma_start3A_71 = tpu.memref_squeeze %dma_start3A_70 : memref<1x16xf32, #tpu.memory_space<hbm>> -> memref<16xf32, #tpu.memory_space<hbm>>
      %dma_start3A_72 = arith.constant 0 : i32
      %dma_start3A_73 = tpu.memref_slice %arg4[%add3A, %dma_start3A_72] : memref<32x16xf32, #tpu.memory_space<hbm>> -> memref<1x16xf32, #tpu.memory_space<hbm>>
      %dma_start3A_74 = tpu.memref_squeeze %dma_start3A_73 : memref<1x16xf32, #tpu.memory_space<hbm>> -> memref<16xf32, #tpu.memory_space<hbm>>
      tpu.enqueue_dma source(%arg8 : memref<16xf32, #tpu.memory_space<vmem>>) target(%dma_start3A_74 : memref<16xf32, #tpu.memory_space<hbm>>) target_semaphore(%run_scoped3A : memref<!tpu.dma_semaphore, #tpu.memory_space<semaphore_mem>>)
      %dma_wait3A_75 = arith.constant 0 : i32
      %dma_wait3A_76 = tpu.memref_slice %arg4[%add3A, %dma_wait3A_75] : memref<32x16xf32, #tpu.memory_space<hbm>> -> memref<1x16xf32, #tpu.memory_space<hbm>>
      %dma_wait3A_77 = tpu.memref_squeeze %dma_wait3A_76 : memref<1x16xf32, #tpu.memory_space<hbm>> -> memref<16xf32, #tpu.memory_space<hbm>>
      %dma_wait3A_78 = arith.constant 0 : i32
      %dma_wait3A_79 = tpu.memref_slice %arg4[%add3A, %dma_wait3A_78] : memref<32x16xf32, #tpu.memory_space<hbm>> -> memref<1x16xf32, #tpu.memory_space<hbm>>
      %dma_wait3A_80 = tpu.memref_squeeze %dma_wait3A_79 : memref<1x16xf32, #tpu.memory_space<hbm>> -> memref<16xf32, #tpu.memory_space<hbm>>
      tpu.wait_dma2 semaphore(%run_scoped3A : memref<!tpu.dma_semaphore, #tpu.memory_space<semaphore_mem>>) src(%arg8 : memref<16xf32, #tpu.memory_space<vmem>>) dst(%dma_wait3A_80 : memref<16xf32, #tpu.memory_space<hbm>>)
      tpu.yield
    }) : () -> ()
    return
  }
}

module attributes {stable_mosaic.version = 14 : i64} {
  func.func @_loss_kernel(%arg0: i32, %arg1: memref<1x256x256xf32, #tpu.memory_space<vmem>>, %arg2: memref<1x256x256xf32, #tpu.memory_space<vmem>>, %arg3: memref<1x256x256xf32, #tpu.memory_space<vmem>>, %arg4: memref<1x8x256xf32, #tpu.memory_space<vmem>>, %arg5: memref<1x8x256xf32, #tpu.memory_space<vmem>>, %arg6: memref<1x8x256xf32, #tpu.memory_space<vmem>>, %arg7: memref<1x8x256xf32, #tpu.memory_space<vmem>>, %arg8: memref<1x8x256xf32, #tpu.memory_space<vmem>>, %arg9: memref<1x8x256xf32, #tpu.memory_space<vmem>>, %arg10: memref<1x8x256xf32, #tpu.memory_space<vmem>>, %arg11: memref<1x8x256xf32, #tpu.memory_space<vmem>>, %arg12: memref<1x8x8x32x32xf32, #tpu.memory_space<vmem>>, %arg13: memref<256x20xf32, #tpu.memory_space<vmem>>, %arg14: memref<1x4xf32, #tpu.memory_space<vmem>>, %arg15: memref<8x256xf32, #tpu.memory_space<vmem>>, %arg16: memref<32x8xf32, #tpu.memory_space<vmem>>) attributes {dimension_semantics = [#tpu.dimension_semantics<arbitrary>], iteration_bounds = array<i64: 4>, scalar_prefetch = 0 : i64, scratch_operands = 2 : i64, tpu.core_type = #tpu.core_type<tc>, window_params = [{transform_indices = @transform_0, window_bounds = array<i64: 1, 256, 256>}, {transform_indices = @transform_1, window_bounds = array<i64: 1, 256, 256>}, {transform_indices = @transform_2, window_bounds = array<i64: 1, 256, 256>}, {transform_indices = @transform_3, window_bounds = array<i64: 1, 8, 256>}, {transform_indices = @transform_4, window_bounds = array<i64: 1, 8, 256>}, {transform_indices = @transform_5, window_bounds = array<i64: 1, 8, 256>}, {transform_indices = @transform_6, window_bounds = array<i64: 1, 8, 256>}, {transform_indices = @transform_7, window_bounds = array<i64: 1, 8, 256>}, {transform_indices = @transform_8, window_bounds = array<i64: 1, 8, 256>}, {transform_indices = @transform_9, window_bounds = array<i64: 1, 8, 256>}, {transform_indices = @transform_10, window_bounds = array<i64: 1, 8, 256>}, {transform_indices = @transform_11, window_bounds = array<i64: 1, 8, 8, 32, 32>}, {pipeline_mode = #tpu.pipeline_mode<synchronous>, transform_indices = @transform_12, window_bounds = array<i64: 256, 20>}, {pipeline_mode = #tpu.pipeline_mode<synchronous>, transform_indices = @transform_13, window_bounds = array<i64: 1, 4>}]} {
    %iota3A = tpu.iota {dimensions = array<i32: 1>} : vector<32x256xi32>
    %jit3A = arith.constant 32 : i32
    %div3A = vector.broadcast %jit3A : i32 to vector<32x256xi32>
    %div3A_0 = arith.divsi %iota3A, %div3A : vector<32x256xi32>
    %sign3A = arith.constant 0 : i32
    %sign3A_1 = vector.broadcast %sign3A : i32 to vector<32x256xi32>
    %sign3A_2 = arith.cmpi sgt, %iota3A, %sign3A_1 : vector<32x256xi32>
    %sign3A_3 = arith.extui %sign3A_2 : vector<32x256xi1> to vector<32x256xi32>
    %sign3A_4 = arith.constant 0 : i32
    %sign3A_5 = vector.broadcast %sign3A_4 : i32 to vector<32x256xi32>
    %sign3A_6 = arith.cmpi slt, %iota3A, %sign3A_5 : vector<32x256xi32>
    %sign3A_7 = arith.extui %sign3A_6 : vector<32x256xi1> to vector<32x256xi32>
    %sign3A_8 = arith.subi %sign3A_3, %sign3A_7 : vector<32x256xi32>
    %sign3A_9 = arith.constant 0 : i32
    %sign3A_10 = arith.cmpi sgt, %jit3A, %sign3A_9 : i32
    %sign3A_11 = arith.extui %sign3A_10 : i1 to i32
    %sign3A_12 = arith.constant 0 : i32
    %sign3A_13 = arith.cmpi slt, %jit3A, %sign3A_12 : i32
    %sign3A_14 = arith.extui %sign3A_13 : i1 to i32
    %sign3A_15 = arith.subi %sign3A_11, %sign3A_14 : i32
    %ne3A = vector.broadcast %sign3A_15 : i32 to vector<32x256xi32>
    %ne3A_16 = arith.cmpi ne, %sign3A_8, %ne3A : vector<32x256xi32>
    %rem3A = vector.broadcast %jit3A : i32 to vector<32x256xi32>
    %rem3A_17 = arith.remsi %iota3A, %rem3A : vector<32x256xi32>
    %ne3A_18 = arith.constant 0 : i32
    %ne3A_19 = vector.broadcast %ne3A_18 : i32 to vector<32x256xi32>
    %ne3A_20 = arith.cmpi ne, %rem3A_17, %ne3A_19 : vector<32x256xi32>
    %and3A = arith.andi %ne3A_16, %ne3A_20 : vector<32x256xi1>
    %sub3A = arith.constant 1 : i32
    %sub3A_21 = vector.broadcast %sub3A : i32 to vector<32x256xi32>
    %sub3A_22 = arith.subi %div3A_0, %sub3A_21 : vector<32x256xi32>
    %select_n3A = arith.select %and3A, %sub3A_22, %div3A_0 : vector<32x256xi1>, vector<32x256xi32>
    %iota3A_23 = tpu.iota {dimensions = array<i32: 0>} : vector<256x8xi32>
    %iota3A_24 = tpu.iota {dimensions = array<i32: 1>} : vector<256x8xi32>
    %mul3A = arith.constant 32 : i32
    %mul3A_25 = vector.broadcast %mul3A : i32 to vector<256x8xi32>
    %mul3A_26 = arith.muli %iota3A_24, %mul3A_25 : vector<256x8xi32>
    %add3A = arith.constant 16 : i32
    %add3A_27 = vector.broadcast %add3A : i32 to vector<256x8xi32>
    %add3A_28 = arith.addi %mul3A_26, %add3A_27 : vector<256x8xi32>
    %eq3A = arith.cmpi eq, %iota3A_23, %add3A_28 : vector<256x8xi32>
    %convert_element_type3A = arith.extui %eq3A : vector<256x8xi1> to vector<256x8xi32>
    %convert_element_type3A_29 = arith.sitofp %convert_element_type3A : vector<256x8xi32> to vector<256x8xf32>
    %eq3A_30 = arith.constant 0 : i32
    %eq3A_31 = arith.cmpi eq, %arg0, %eq3A_30 : i32
    %convert_element_type3A_32 = arith.extui %eq3A_31 : i1 to i32
    %cond3A = arith.constant 0 : i32
    %cond3A_33 = arith.cmpi ne, %convert_element_type3A_32, %cond3A : i32
    scf.if %cond3A_33 {
      %broadcast_in_dim3A_1177 = arith.constant 0.000000e+00 : f32
      %broadcast_in_dim3A_1178 = vector.broadcast %broadcast_in_dim3A_1177 : f32 to vector<8x256xf32>
      %swap3A_1179 = arith.constant 0 : index
      %swap3A_1180 = arith.constant 0 : index
      %swap3A_1181 = vector.load %arg15[%swap3A_1179, %swap3A_1180] : memref<8x256xf32, #tpu.memory_space<vmem>>, vector<8x256xf32>
      tpu.vector_store %arg15[%swap3A_1179, %swap3A_1180], %broadcast_in_dim3A_1178 {strides = array<i32>} : memref<8x256xf32, #tpu.memory_space<vmem>>, vector<8x256xf32>,
    } else {
    }
    %broadcast_in_dim3A = arith.constant 0.000000e+00 : f32
    %broadcast_in_dim3A_34 = vector.broadcast %broadcast_in_dim3A : f32 to vector<1x256xf32>
    %broadcast_in_dim3A_35 = arith.constant 0.000000e+00 : f32
    %broadcast_in_dim3A_36 = vector.broadcast %broadcast_in_dim3A_35 : f32 to vector<1x256xf32>
    %broadcast_in_dim3A_37 = arith.constant 0.000000e+00 : f32
    %broadcast_in_dim3A_38 = vector.broadcast %broadcast_in_dim3A_37 : f32 to vector<1x256xf32>
    %get3A = arith.constant 0 : index
    %get3A_39 = arith.constant 0 : index
    %get3A_40 = arith.constant 0 : index
    %get3A_41 = vector.load %arg2[%get3A, %get3A_39, %get3A_40] : memref<1x256x256xf32, #tpu.memory_space<vmem>>, vector<1x32x256xf32>
    %get3A_42 = vector.shape_cast %get3A_41 : vector<1x32x256xf32> to vector<32x256xf32>
    %get3A_43 = arith.constant 0 : index
    %get3A_44 = arith.constant 0 : index
    %get3A_45 = arith.constant 0 : index
    %get3A_46 = vector.load %arg1[%get3A_43, %get3A_44, %get3A_45] : memref<1x256x256xf32, #tpu.memory_space<vmem>>, vector<1x32x256xf32>
    %get3A_47 = vector.shape_cast %get3A_46 : vector<1x32x256xf32> to vector<32x256xf32>
    %get3A_48 = arith.constant 0 : index
    %get3A_49 = arith.constant 0 : index
    %get3A_50 = arith.constant 0 : index
    %get3A_51 = vector.load %arg3[%get3A_48, %get3A_49, %get3A_50] : memref<1x256x256xf32, #tpu.memory_space<vmem>>, vector<1x32x256xf32>
    %get3A_52 = vector.shape_cast %get3A_51 : vector<1x32x256xf32> to vector<32x256xf32>
    %eq3A_53 = arith.constant 1.000000e+00 : f32
    %eq3A_54 = vector.broadcast %eq3A_53 : f32 to vector<32x256xf32>
    %eq3A_55 = arith.cmpf oeq, %get3A_42, %eq3A_54 : vector<32x256xf32>
    %convert_element_type3A_56 = arith.extui %eq3A_55 : vector<32x256xi1> to vector<32x256xi32>
    %convert_element_type3A_57 = arith.sitofp %convert_element_type3A_56 : vector<32x256xi32> to vector<32x256xf32>
    %sub3A_58 = arith.constant 1.000000e+00 : f32
    %sub3A_59 = vector.broadcast %sub3A_58 : f32 to vector<32x256xf32>
    %sub3A_60 = arith.subf %sub3A_59, %get3A_42 : vector<32x256xf32>
    %mul3A_61 = arith.mulf %sub3A_60, %sub3A_60 : vector<32x256xf32>
    %mul3A_62 = arith.mulf %sub3A_60, %sub3A_60 : vector<32x256xf32>
    %mul3A_63 = arith.mulf %mul3A_61, %mul3A_62 : vector<32x256xf32>
    %add3A_64 = arith.constant 9.99999993E-9 : f32
    %add3A_65 = vector.broadcast %add3A_64 : f32 to vector<32x256xf32>
    %add3A_66 = arith.addf %get3A_47, %add3A_65 : vector<32x256xf32>
    %log3A = math.log %add3A_66 : vector<32x256xf32>
    %mul3A_67 = arith.mulf %convert_element_type3A_57, %log3A : vector<32x256xf32>
    %sub3A_68 = arith.constant 1.000000e+00 : f32
    %sub3A_69 = vector.broadcast %sub3A_68 : f32 to vector<32x256xf32>
    %sub3A_70 = arith.subf %sub3A_69, %get3A_47 : vector<32x256xf32>
    %add3A_71 = arith.constant 9.99999993E-9 : f32
    %add3A_72 = vector.broadcast %add3A_71 : f32 to vector<32x256xf32>
    %add3A_73 = arith.addf %sub3A_70, %add3A_72 : vector<32x256xf32>
    %log3A_74 = math.log %add3A_73 : vector<32x256xf32>
    %mul3A_75 = arith.mulf %mul3A_63, %log3A_74 : vector<32x256xf32>
    %add3A_76 = arith.addf %mul3A_67, %mul3A_75 : vector<32x256xf32>
    %reduce_sum3A = arith.constant dense<0.000000e+00> : vector<256xf32>
    %reduce_sum3A_77 = vector.multi_reduction <add>, %add3A_76, %reduce_sum3A [0] : vector<32x256xf32> to vector<256xf32>
    %broadcast_in_dim3A_78 = vector.shape_cast %reduce_sum3A_77 : vector<256xf32> to vector<1x256xf32>
    %add3A_79 = arith.addf %broadcast_in_dim3A_34, %broadcast_in_dim3A_78 : vector<1x256xf32>
    %reduce_sum3A_80 = arith.constant dense<0.000000e+00> : vector<256xf32>
    %reduce_sum3A_81 = vector.multi_reduction <add>, %convert_element_type3A_57, %reduce_sum3A_80 [0] : vector<32x256xf32> to vector<256xf32>
    %broadcast_in_dim3A_82 = vector.shape_cast %reduce_sum3A_81 : vector<256xf32> to vector<1x256xf32>
    %add3A_83 = arith.addf %broadcast_in_dim3A_36, %broadcast_in_dim3A_82 : vector<1x256xf32>
    %get3A_84 = arith.constant 0 : index
    %get3A_85 = arith.constant 0 : index
    %get3A_86 = arith.constant 0 : index
    %get3A_87 = arith.constant 0 : index
    %get3A_88 = arith.constant 0 : index
    %get3A_89 = vector.load %arg12[%get3A_84, %get3A_85, %get3A_86, %get3A_87, %get3A_88] : memref<1x8x8x32x32xf32, #tpu.memory_space<vmem>>, vector<1x1x1x32x32xf32>
    %get3A_90 = vector.shape_cast %get3A_89 : vector<1x1x1x32x32xf32> to vector<32x32xf32>
    %get3A_91 = arith.constant 0 : index
    %get3A_92 = arith.constant 0 : index
    %get3A_93 = arith.constant 1 : index
    %get3A_94 = arith.constant 0 : index
    %get3A_95 = arith.constant 0 : index
    %get3A_96 = vector.load %arg12[%get3A_91, %get3A_92, %get3A_93, %get3A_94, %get3A_95] : memref<1x8x8x32x32xf32, #tpu.memory_space<vmem>>, vector<1x1x1x32x32xf32>
    %get3A_97 = vector.shape_cast %get3A_96 : vector<1x1x1x32x32xf32> to vector<32x32xf32>
    %get3A_98 = arith.constant 0 : index
    %get3A_99 = arith.constant 0 : index
    %get3A_100 = arith.constant 2 : index
    %get3A_101 = arith.constant 0 : index
    %get3A_102 = arith.constant 0 : index
    %get3A_103 = vector.load %arg12[%get3A_98, %get3A_99, %get3A_100, %get3A_101, %get3A_102] : memref<1x8x8x32x32xf32, #tpu.memory_space<vmem>>, vector<1x1x1x32x32xf32>
    %get3A_104 = vector.shape_cast %get3A_103 : vector<1x1x1x32x32xf32> to vector<32x32xf32>
    %get3A_105 = arith.constant 0 : index
    %get3A_106 = arith.constant 0 : index
    %get3A_107 = arith.constant 3 : index
    %get3A_108 = arith.constant 0 : index
    %get3A_109 = arith.constant 0 : index
    %get3A_110 = vector.load %arg12[%get3A_105, %get3A_106, %get3A_107, %get3A_108, %get3A_109] : memref<1x8x8x32x32xf32, #tpu.memory_space<vmem>>, vector<1x1x1x32x32xf32>
    %get3A_111 = vector.shape_cast %get3A_110 : vector<1x1x1x32x32xf32> to vector<32x32xf32>
    %get3A_112 = arith.constant 0 : index
    %get3A_113 = arith.constant 0 : index
    %get3A_114 = arith.constant 4 : index
    %get3A_115 = arith.constant 0 : index
    %get3A_116 = arith.constant 0 : index
    %get3A_117 = vector.load %arg12[%get3A_112, %get3A_113, %get3A_114, %get3A_115, %get3A_116] : memref<1x8x8x32x32xf32, #tpu.memory_space<vmem>>, vector<1x1x1x32x32xf32>
    %get3A_118 = vector.shape_cast %get3A_117 : vector<1x1x1x32x32xf32> to vector<32x32xf32>
    %get3A_119 = arith.constant 0 : index
    %get3A_120 = arith.constant 0 : index
    %get3A_121 = arith.constant 5 : index
    %get3A_122 = arith.constant 0 : index
    %get3A_123 = arith.constant 0 : index
    %get3A_124 = vector.load %arg12[%get3A_119, %get3A_120, %get3A_121, %get3A_122, %get3A_123] : memref<1x8x8x32x32xf32, #tpu.memory_space<vmem>>, vector<1x1x1x32x32xf32>
    %get3A_125 = vector.shape_cast %get3A_124 : vector<1x1x1x32x32xf32> to vector<32x32xf32>
    %get3A_126 = arith.constant 0 : index
    %get3A_127 = arith.constant 0 : index
    %get3A_128 = arith.constant 6 : index
    %get3A_129 = arith.constant 0 : index
    %get3A_130 = arith.constant 0 : index
    %get3A_131 = vector.load %arg12[%get3A_126, %get3A_127, %get3A_128, %get3A_129, %get3A_130] : memref<1x8x8x32x32xf32, #tpu.memory_space<vmem>>, vector<1x1x1x32x32xf32>
    %get3A_132 = vector.shape_cast %get3A_131 : vector<1x1x1x32x32xf32> to vector<32x32xf32>
    %get3A_133 = arith.constant 0 : index
    %get3A_134 = arith.constant 0 : index
    %get3A_135 = arith.constant 7 : index
    %get3A_136 = arith.constant 0 : index
    %get3A_137 = arith.constant 0 : index
    %get3A_138 = vector.load %arg12[%get3A_133, %get3A_134, %get3A_135, %get3A_136, %get3A_137] : memref<1x8x8x32x32xf32, #tpu.memory_space<vmem>>, vector<1x1x1x32x32xf32>
    %get3A_139 = vector.shape_cast %get3A_138 : vector<1x1x1x32x32xf32> to vector<32x32xf32>
    %concatenate3A = tpu.concatenate %get3A_90, %get3A_97, %get3A_104, %get3A_111, %get3A_118, %get3A_125, %get3A_132, %get3A_139 in 1 : vector<32x32xf32>, vector<32x32xf32>, vector<32x32xf32>, vector<32x32xf32>, vector<32x32xf32>, vector<32x32xf32>, vector<32x32xf32>, vector<32x32xf32> -> vector<32x256xf32>
    %add3A_140 = arith.constant 0 : i32
    %add3A_141 = vector.broadcast %add3A_140 : i32 to vector<32x256xi32>
    %add3A_142 = arith.addi %add3A_141, %select_n3A : vector<32x256xi32>
    %convert_element_type3A_143 = arith.sitofp %add3A_142 : vector<32x256xi32> to vector<32x256xf32>
    %eq3A_144 = arith.cmpf oeq, %get3A_52, %convert_element_type3A_143 : vector<32x256xf32>
    %jit3A_145 = arith.constant 1.000000e+00 : f32
    %jit3A_146 = arith.constant -1.000000e+00 : f32
    %broadcast_in_dim3A_147 = vector.broadcast %jit3A_145 : f32 to vector<32x256xf32>
    %broadcast_in_dim3A_148 = vector.broadcast %jit3A_146 : f32 to vector<32x256xf32>
    %select_n3A_149 = arith.select %eq3A_144, %broadcast_in_dim3A_147, %broadcast_in_dim3A_148 : vector<32x256xi1>, vector<32x256xf32>
    %mul3A_150 = arith.constant 2.000000e+00 : f32
    %mul3A_151 = vector.broadcast %mul3A_150 : f32 to vector<32x256xf32>
    %mul3A_152 = arith.mulf %mul3A_151, %concatenate3A : vector<32x256xf32>
    %sub3A_153 = arith.constant 1.000000e+00 : f32
    %sub3A_154 = vector.broadcast %sub3A_153 : f32 to vector<32x256xf32>
    %sub3A_155 = arith.subf %mul3A_152, %sub3A_154 : vector<32x256xf32>
    %mul3A_156 = arith.mulf %sub3A_155, %select_n3A_149 : vector<32x256xf32>
    %neg3A = arith.constant 0.000000e+00 : f32
    %neg3A_157 = vector.broadcast %neg3A : f32 to vector<32x256xf32>
    %neg3A_158 = arith.subf %neg3A_157, %mul3A_156 : vector<32x256xf32>
    %exp3A = math.exp %neg3A_158 : vector<32x256xf32>
    %add3A_159 = arith.constant 1.000000e+00 : f32
    %add3A_160 = vector.broadcast %add3A_159 : f32 to vector<32x256xf32>
    %add3A_161 = arith.addf %add3A_160, %exp3A : vector<32x256xf32>
    %log3A_162 = math.log %add3A_161 : vector<32x256xf32>
    %reduce_sum3A_163 = arith.constant dense<0.000000e+00> : vector<256xf32>
    %reduce_sum3A_164 = vector.multi_reduction <add>, %log3A_162, %reduce_sum3A_163 [0] : vector<32x256xf32> to vector<256xf32>
    %broadcast_in_dim3A_165 = vector.shape_cast %reduce_sum3A_164 : vector<256xf32> to vector<1x256xf32>
    %add3A_166 = arith.addf %broadcast_in_dim3A_38, %broadcast_in_dim3A_165 : vector<1x256xf32>
    %get3A_167 = arith.constant 0 : index
    %get3A_168 = arith.constant 32 : index
    %get3A_169 = arith.constant 0 : index
    %get3A_170 = vector.load %arg2[%get3A_167, %get3A_168, %get3A_169] : memref<1x256x256xf32, #tpu.memory_space<vmem>>, vector<1x32x256xf32>
    %get3A_171 = vector.shape_cast %get3A_170 : vector<1x32x256xf32> to vector<32x256xf32>
    %get3A_172 = arith.constant 0 : index
    %get3A_173 = arith.constant 32 : index
    %get3A_174 = arith.constant 0 : index
    %get3A_175 = vector.load %arg1[%get3A_172, %get3A_173, %get3A_174] : memref<1x256x256xf32, #tpu.memory_space<vmem>>, vector<1x32x256xf32>
    %get3A_176 = vector.shape_cast %get3A_175 : vector<1x32x256xf32> to vector<32x256xf32>
    %get3A_177 = arith.constant 0 : index
    %get3A_178 = arith.constant 32 : index
    %get3A_179 = arith.constant 0 : index
    %get3A_180 = vector.load %arg3[%get3A_177, %get3A_178, %get3A_179] : memref<1x256x256xf32, #tpu.memory_space<vmem>>, vector<1x32x256xf32>
    %get3A_181 = vector.shape_cast %get3A_180 : vector<1x32x256xf32> to vector<32x256xf32>
    %eq3A_182 = arith.constant 1.000000e+00 : f32
    %eq3A_183 = vector.broadcast %eq3A_182 : f32 to vector<32x256xf32>
    %eq3A_184 = arith.cmpf oeq, %get3A_171, %eq3A_183 : vector<32x256xf32>
    %convert_element_type3A_185 = arith.extui %eq3A_184 : vector<32x256xi1> to vector<32x256xi32>
    %convert_element_type3A_186 = arith.sitofp %convert_element_type3A_185 : vector<32x256xi32> to vector<32x256xf32>
    %sub3A_187 = arith.constant 1.000000e+00 : f32
    %sub3A_188 = vector.broadcast %sub3A_187 : f32 to vector<32x256xf32>
    %sub3A_189 = arith.subf %sub3A_188, %get3A_171 : vector<32x256xf32>
    %mul3A_190 = arith.mulf %sub3A_189, %sub3A_189 : vector<32x256xf32>
    %mul3A_191 = arith.mulf %sub3A_189, %sub3A_189 : vector<32x256xf32>
    %mul3A_192 = arith.mulf %mul3A_190, %mul3A_191 : vector<32x256xf32>
    %add3A_193 = arith.constant 9.99999993E-9 : f32
    %add3A_194 = vector.broadcast %add3A_193 : f32 to vector<32x256xf32>
    %add3A_195 = arith.addf %get3A_176, %add3A_194 : vector<32x256xf32>
    %log3A_196 = math.log %add3A_195 : vector<32x256xf32>
    %mul3A_197 = arith.mulf %convert_element_type3A_186, %log3A_196 : vector<32x256xf32>
    %sub3A_198 = arith.constant 1.000000e+00 : f32
    %sub3A_199 = vector.broadcast %sub3A_198 : f32 to vector<32x256xf32>
    %sub3A_200 = arith.subf %sub3A_199, %get3A_176 : vector<32x256xf32>
    %add3A_201 = arith.constant 9.99999993E-9 : f32
    %add3A_202 = vector.broadcast %add3A_201 : f32 to vector<32x256xf32>
    %add3A_203 = arith.addf %sub3A_200, %add3A_202 : vector<32x256xf32>
    %log3A_204 = math.log %add3A_203 : vector<32x256xf32>
    %mul3A_205 = arith.mulf %mul3A_192, %log3A_204 : vector<32x256xf32>
    %add3A_206 = arith.addf %mul3A_197, %mul3A_205 : vector<32x256xf32>
    %reduce_sum3A_207 = arith.constant dense<0.000000e+00> : vector<256xf32>
    %reduce_sum3A_208 = vector.multi_reduction <add>, %add3A_206, %reduce_sum3A_207 [0] : vector<32x256xf32> to vector<256xf32>
    %broadcast_in_dim3A_209 = vector.shape_cast %reduce_sum3A_208 : vector<256xf32> to vector<1x256xf32>
    %add3A_210 = arith.addf %add3A_79, %broadcast_in_dim3A_209 : vector<1x256xf32>
    %reduce_sum3A_211 = arith.constant dense<0.000000e+00> : vector<256xf32>
    %reduce_sum3A_212 = vector.multi_reduction <add>, %convert_element_type3A_186, %reduce_sum3A_211 [0] : vector<32x256xf32> to vector<256xf32>
    %broadcast_in_dim3A_213 = vector.shape_cast %reduce_sum3A_212 : vector<256xf32> to vector<1x256xf32>
    %add3A_214 = arith.addf %add3A_83, %broadcast_in_dim3A_213 : vector<1x256xf32>
    %get3A_215 = arith.constant 0 : index
    %get3A_216 = arith.constant 1 : index
    %get3A_217 = arith.constant 0 : index
    %get3A_218 = arith.constant 0 : index
    %get3A_219 = arith.constant 0 : index
    %get3A_220 = vector.load %arg12[%get3A_215, %get3A_216, %get3A_217, %get3A_218, %get3A_219] : memref<1x8x8x32x32xf32, #tpu.memory_space<vmem>>, vector<1x1x1x32x32xf32>
    %get3A_221 = vector.shape_cast %get3A_220 : vector<1x1x1x32x32xf32> to vector<32x32xf32>
    %get3A_222 = arith.constant 0 : index
    %get3A_223 = arith.constant 1 : index
    %get3A_224 = arith.constant 1 : index
    %get3A_225 = arith.constant 0 : index
    %get3A_226 = arith.constant 0 : index
    %get3A_227 = vector.load %arg12[%get3A_222, %get3A_223, %get3A_224, %get3A_225, %get3A_226] : memref<1x8x8x32x32xf32, #tpu.memory_space<vmem>>, vector<1x1x1x32x32xf32>
    %get3A_228 = vector.shape_cast %get3A_227 : vector<1x1x1x32x32xf32> to vector<32x32xf32>
    %get3A_229 = arith.constant 0 : index
    %get3A_230 = arith.constant 1 : index
    %get3A_231 = arith.constant 2 : index
    %get3A_232 = arith.constant 0 : index
    %get3A_233 = arith.constant 0 : index
    %get3A_234 = vector.load %arg12[%get3A_229, %get3A_230, %get3A_231, %get3A_232, %get3A_233] : memref<1x8x8x32x32xf32, #tpu.memory_space<vmem>>, vector<1x1x1x32x32xf32>
    %get3A_235 = vector.shape_cast %get3A_234 : vector<1x1x1x32x32xf32> to vector<32x32xf32>
    %get3A_236 = arith.constant 0 : index
    %get3A_237 = arith.constant 1 : index
    %get3A_238 = arith.constant 3 : index
    %get3A_239 = arith.constant 0 : index
    %get3A_240 = arith.constant 0 : index
    %get3A_241 = vector.load %arg12[%get3A_236, %get3A_237, %get3A_238, %get3A_239, %get3A_240] : memref<1x8x8x32x32xf32, #tpu.memory_space<vmem>>, vector<1x1x1x32x32xf32>
    %get3A_242 = vector.shape_cast %get3A_241 : vector<1x1x1x32x32xf32> to vector<32x32xf32>
    %get3A_243 = arith.constant 0 : index
    %get3A_244 = arith.constant 1 : index
    %get3A_245 = arith.constant 4 : index
    %get3A_246 = arith.constant 0 : index
    %get3A_247 = arith.constant 0 : index
    %get3A_248 = vector.load %arg12[%get3A_243, %get3A_244, %get3A_245, %get3A_246, %get3A_247] : memref<1x8x8x32x32xf32, #tpu.memory_space<vmem>>, vector<1x1x1x32x32xf32>
    %get3A_249 = vector.shape_cast %get3A_248 : vector<1x1x1x32x32xf32> to vector<32x32xf32>
    %get3A_250 = arith.constant 0 : index
    %get3A_251 = arith.constant 1 : index
    %get3A_252 = arith.constant 5 : index
    %get3A_253 = arith.constant 0 : index
    %get3A_254 = arith.constant 0 : index
    %get3A_255 = vector.load %arg12[%get3A_250, %get3A_251, %get3A_252, %get3A_253, %get3A_254] : memref<1x8x8x32x32xf32, #tpu.memory_space<vmem>>, vector<1x1x1x32x32xf32>
    %get3A_256 = vector.shape_cast %get3A_255 : vector<1x1x1x32x32xf32> to vector<32x32xf32>
    %get3A_257 = arith.constant 0 : index
    %get3A_258 = arith.constant 1 : index
    %get3A_259 = arith.constant 6 : index
    %get3A_260 = arith.constant 0 : index
    %get3A_261 = arith.constant 0 : index
    %get3A_262 = vector.load %arg12[%get3A_257, %get3A_258, %get3A_259, %get3A_260, %get3A_261] : memref<1x8x8x32x32xf32, #tpu.memory_space<vmem>>, vector<1x1x1x32x32xf32>
    %get3A_263 = vector.shape_cast %get3A_262 : vector<1x1x1x32x32xf32> to vector<32x32xf32>
    %get3A_264 = arith.constant 0 : index
    %get3A_265 = arith.constant 1 : index
    %get3A_266 = arith.constant 7 : index
    %get3A_267 = arith.constant 0 : index
    %get3A_268 = arith.constant 0 : index
    %get3A_269 = vector.load %arg12[%get3A_264, %get3A_265, %get3A_266, %get3A_267, %get3A_268] : memref<1x8x8x32x32xf32, #tpu.memory_space<vmem>>, vector<1x1x1x32x32xf32>
    %get3A_270 = vector.shape_cast %get3A_269 : vector<1x1x1x32x32xf32> to vector<32x32xf32>
    %concatenate3A_271 = tpu.concatenate %get3A_221, %get3A_228, %get3A_235, %get3A_242, %get3A_249, %get3A_256, %get3A_263, %get3A_270 in 1 : vector<32x32xf32>, vector<32x32xf32>, vector<32x32xf32>, vector<32x32xf32>, vector<32x32xf32>, vector<32x32xf32>, vector<32x32xf32>, vector<32x32xf32> -> vector<32x256xf32>
    %add3A_272 = arith.constant 8 : i32
    %add3A_273 = vector.broadcast %add3A_272 : i32 to vector<32x256xi32>
    %add3A_274 = arith.addi %add3A_273, %select_n3A : vector<32x256xi32>
    %convert_element_type3A_275 = arith.sitofp %add3A_274 : vector<32x256xi32> to vector<32x256xf32>
    %eq3A_276 = arith.cmpf oeq, %get3A_181, %convert_element_type3A_275 : vector<32x256xf32>
    %jit3A_277 = arith.constant 1.000000e+00 : f32
    %jit3A_278 = arith.constant -1.000000e+00 : f32
    %broadcast_in_dim3A_279 = vector.broadcast %jit3A_277 : f32 to vector<32x256xf32>
    %broadcast_in_dim3A_280 = vector.broadcast %jit3A_278 : f32 to vector<32x256xf32>
    %select_n3A_281 = arith.select %eq3A_276, %broadcast_in_dim3A_279, %broadcast_in_dim3A_280 : vector<32x256xi1>, vector<32x256xf32>
    %mul3A_282 = arith.constant 2.000000e+00 : f32
    %mul3A_283 = vector.broadcast %mul3A_282 : f32 to vector<32x256xf32>
    %mul3A_284 = arith.mulf %mul3A_283, %concatenate3A_271 : vector<32x256xf32>
    %sub3A_285 = arith.constant 1.000000e+00 : f32
    %sub3A_286 = vector.broadcast %sub3A_285 : f32 to vector<32x256xf32>
    %sub3A_287 = arith.subf %mul3A_284, %sub3A_286 : vector<32x256xf32>
    %mul3A_288 = arith.mulf %sub3A_287, %select_n3A_281 : vector<32x256xf32>
    %neg3A_289 = arith.constant 0.000000e+00 : f32
    %neg3A_290 = vector.broadcast %neg3A_289 : f32 to vector<32x256xf32>
    %neg3A_291 = arith.subf %neg3A_290, %mul3A_288 : vector<32x256xf32>
    %exp3A_292 = math.exp %neg3A_291 : vector<32x256xf32>
    %add3A_293 = arith.constant 1.000000e+00 : f32
    %add3A_294 = vector.broadcast %add3A_293 : f32 to vector<32x256xf32>
    %add3A_295 = arith.addf %add3A_294, %exp3A_292 : vector<32x256xf32>
    %log3A_296 = math.log %add3A_295 : vector<32x256xf32>
    %reduce_sum3A_297 = arith.constant dense<0.000000e+00> : vector<256xf32>
    %reduce_sum3A_298 = vector.multi_reduction <add>, %log3A_296, %reduce_sum3A_297 [0] : vector<32x256xf32> to vector<256xf32>
    %broadcast_in_dim3A_299 = vector.shape_cast %reduce_sum3A_298 : vector<256xf32> to vector<1x256xf32>
    %add3A_300 = arith.addf %add3A_166, %broadcast_in_dim3A_299 : vector<1x256xf32>
    %get3A_301 = arith.constant 0 : index
    %get3A_302 = arith.constant 64 : index
    %get3A_303 = arith.constant 0 : index
    %get3A_304 = vector.load %arg2[%get3A_301, %get3A_302, %get3A_303] : memref<1x256x256xf32, #tpu.memory_space<vmem>>, vector<1x32x256xf32>
    %get3A_305 = vector.shape_cast %get3A_304 : vector<1x32x256xf32> to vector<32x256xf32>
    %get3A_306 = arith.constant 0 : index
    %get3A_307 = arith.constant 64 : index
    %get3A_308 = arith.constant 0 : index
    %get3A_309 = vector.load %arg1[%get3A_306, %get3A_307, %get3A_308] : memref<1x256x256xf32, #tpu.memory_space<vmem>>, vector<1x32x256xf32>
    %get3A_310 = vector.shape_cast %get3A_309 : vector<1x32x256xf32> to vector<32x256xf32>
    %get3A_311 = arith.constant 0 : index
    %get3A_312 = arith.constant 64 : index
    %get3A_313 = arith.constant 0 : index
    %get3A_314 = vector.load %arg3[%get3A_311, %get3A_312, %get3A_313] : memref<1x256x256xf32, #tpu.memory_space<vmem>>, vector<1x32x256xf32>
    %get3A_315 = vector.shape_cast %get3A_314 : vector<1x32x256xf32> to vector<32x256xf32>
    %eq3A_316 = arith.constant 1.000000e+00 : f32
    %eq3A_317 = vector.broadcast %eq3A_316 : f32 to vector<32x256xf32>
    %eq3A_318 = arith.cmpf oeq, %get3A_305, %eq3A_317 : vector<32x256xf32>
    %convert_element_type3A_319 = arith.extui %eq3A_318 : vector<32x256xi1> to vector<32x256xi32>
    %convert_element_type3A_320 = arith.sitofp %convert_element_type3A_319 : vector<32x256xi32> to vector<32x256xf32>
    %sub3A_321 = arith.constant 1.000000e+00 : f32
    %sub3A_322 = vector.broadcast %sub3A_321 : f32 to vector<32x256xf32>
    %sub3A_323 = arith.subf %sub3A_322, %get3A_305 : vector<32x256xf32>
    %mul3A_324 = arith.mulf %sub3A_323, %sub3A_323 : vector<32x256xf32>
    %mul3A_325 = arith.mulf %sub3A_323, %sub3A_323 : vector<32x256xf32>
    %mul3A_326 = arith.mulf %mul3A_324, %mul3A_325 : vector<32x256xf32>
    %add3A_327 = arith.constant 9.99999993E-9 : f32
    %add3A_328 = vector.broadcast %add3A_327 : f32 to vector<32x256xf32>
    %add3A_329 = arith.addf %get3A_310, %add3A_328 : vector<32x256xf32>
    %log3A_330 = math.log %add3A_329 : vector<32x256xf32>
    %mul3A_331 = arith.mulf %convert_element_type3A_320, %log3A_330 : vector<32x256xf32>
    %sub3A_332 = arith.constant 1.000000e+00 : f32
    %sub3A_333 = vector.broadcast %sub3A_332 : f32 to vector<32x256xf32>
    %sub3A_334 = arith.subf %sub3A_333, %get3A_310 : vector<32x256xf32>
    %add3A_335 = arith.constant 9.99999993E-9 : f32
    %add3A_336 = vector.broadcast %add3A_335 : f32 to vector<32x256xf32>
    %add3A_337 = arith.addf %sub3A_334, %add3A_336 : vector<32x256xf32>
    %log3A_338 = math.log %add3A_337 : vector<32x256xf32>
    %mul3A_339 = arith.mulf %mul3A_326, %log3A_338 : vector<32x256xf32>
    %add3A_340 = arith.addf %mul3A_331, %mul3A_339 : vector<32x256xf32>
    %reduce_sum3A_341 = arith.constant dense<0.000000e+00> : vector<256xf32>
    %reduce_sum3A_342 = vector.multi_reduction <add>, %add3A_340, %reduce_sum3A_341 [0] : vector<32x256xf32> to vector<256xf32>
    %broadcast_in_dim3A_343 = vector.shape_cast %reduce_sum3A_342 : vector<256xf32> to vector<1x256xf32>
    %add3A_344 = arith.addf %add3A_210, %broadcast_in_dim3A_343 : vector<1x256xf32>
    %reduce_sum3A_345 = arith.constant dense<0.000000e+00> : vector<256xf32>
    %reduce_sum3A_346 = vector.multi_reduction <add>, %convert_element_type3A_320, %reduce_sum3A_345 [0] : vector<32x256xf32> to vector<256xf32>
    %broadcast_in_dim3A_347 = vector.shape_cast %reduce_sum3A_346 : vector<256xf32> to vector<1x256xf32>
    %add3A_348 = arith.addf %add3A_214, %broadcast_in_dim3A_347 : vector<1x256xf32>
    %get3A_349 = arith.constant 0 : index
    %get3A_350 = arith.constant 2 : index
    %get3A_351 = arith.constant 0 : index
    %get3A_352 = arith.constant 0 : index
    %get3A_353 = arith.constant 0 : index
    %get3A_354 = vector.load %arg12[%get3A_349, %get3A_350, %get3A_351, %get3A_352, %get3A_353] : memref<1x8x8x32x32xf32, #tpu.memory_space<vmem>>, vector<1x1x1x32x32xf32>
    %get3A_355 = vector.shape_cast %get3A_354 : vector<1x1x1x32x32xf32> to vector<32x32xf32>
    %get3A_356 = arith.constant 0 : index
    %get3A_357 = arith.constant 2 : index
    %get3A_358 = arith.constant 1 : index
    %get3A_359 = arith.constant 0 : index
    %get3A_360 = arith.constant 0 : index
    %get3A_361 = vector.load %arg12[%get3A_356, %get3A_357, %get3A_358, %get3A_359, %get3A_360] : memref<1x8x8x32x32xf32, #tpu.memory_space<vmem>>, vector<1x1x1x32x32xf32>
    %get3A_362 = vector.shape_cast %get3A_361 : vector<1x1x1x32x32xf32> to vector<32x32xf32>
    %get3A_363 = arith.constant 0 : index
    %get3A_364 = arith.constant 2 : index
    %get3A_365 = arith.constant 2 : index
    %get3A_366 = arith.constant 0 : index
    %get3A_367 = arith.constant 0 : index
    %get3A_368 = vector.load %arg12[%get3A_363, %get3A_364, %get3A_365, %get3A_366, %get3A_367] : memref<1x8x8x32x32xf32, #tpu.memory_space<vmem>>, vector<1x1x1x32x32xf32>
    %get3A_369 = vector.shape_cast %get3A_368 : vector<1x1x1x32x32xf32> to vector<32x32xf32>
    %get3A_370 = arith.constant 0 : index
    %get3A_371 = arith.constant 2 : index
    %get3A_372 = arith.constant 3 : index
    %get3A_373 = arith.constant 0 : index
    %get3A_374 = arith.constant 0 : index
    %get3A_375 = vector.load %arg12[%get3A_370, %get3A_371, %get3A_372, %get3A_373, %get3A_374] : memref<1x8x8x32x32xf32, #tpu.memory_space<vmem>>, vector<1x1x1x32x32xf32>
    %get3A_376 = vector.shape_cast %get3A_375 : vector<1x1x1x32x32xf32> to vector<32x32xf32>
    %get3A_377 = arith.constant 0 : index
    %get3A_378 = arith.constant 2 : index
    %get3A_379 = arith.constant 4 : index
    %get3A_380 = arith.constant 0 : index
    %get3A_381 = arith.constant 0 : index
    %get3A_382 = vector.load %arg12[%get3A_377, %get3A_378, %get3A_379, %get3A_380, %get3A_381] : memref<1x8x8x32x32xf32, #tpu.memory_space<vmem>>, vector<1x1x1x32x32xf32>
    %get3A_383 = vector.shape_cast %get3A_382 : vector<1x1x1x32x32xf32> to vector<32x32xf32>
    %get3A_384 = arith.constant 0 : index
    %get3A_385 = arith.constant 2 : index
    %get3A_386 = arith.constant 5 : index
    %get3A_387 = arith.constant 0 : index
    %get3A_388 = arith.constant 0 : index
    %get3A_389 = vector.load %arg12[%get3A_384, %get3A_385, %get3A_386, %get3A_387, %get3A_388] : memref<1x8x8x32x32xf32, #tpu.memory_space<vmem>>, vector<1x1x1x32x32xf32>
    %get3A_390 = vector.shape_cast %get3A_389 : vector<1x1x1x32x32xf32> to vector<32x32xf32>
    %get3A_391 = arith.constant 0 : index
    %get3A_392 = arith.constant 2 : index
    %get3A_393 = arith.constant 6 : index
    %get3A_394 = arith.constant 0 : index
    %get3A_395 = arith.constant 0 : index
    %get3A_396 = vector.load %arg12[%get3A_391, %get3A_392, %get3A_393, %get3A_394, %get3A_395] : memref<1x8x8x32x32xf32, #tpu.memory_space<vmem>>, vector<1x1x1x32x32xf32>
    %get3A_397 = vector.shape_cast %get3A_396 : vector<1x1x1x32x32xf32> to vector<32x32xf32>
    %get3A_398 = arith.constant 0 : index
    %get3A_399 = arith.constant 2 : index
    %get3A_400 = arith.constant 7 : index
    %get3A_401 = arith.constant 0 : index
    %get3A_402 = arith.constant 0 : index
    %get3A_403 = vector.load %arg12[%get3A_398, %get3A_399, %get3A_400, %get3A_401, %get3A_402] : memref<1x8x8x32x32xf32, #tpu.memory_space<vmem>>, vector<1x1x1x32x32xf32>
    %get3A_404 = vector.shape_cast %get3A_403 : vector<1x1x1x32x32xf32> to vector<32x32xf32>
    %concatenate3A_405 = tpu.concatenate %get3A_355, %get3A_362, %get3A_369, %get3A_376, %get3A_383, %get3A_390, %get3A_397, %get3A_404 in 1 : vector<32x32xf32>, vector<32x32xf32>, vector<32x32xf32>, vector<32x32xf32>, vector<32x32xf32>, vector<32x32xf32>, vector<32x32xf32>, vector<32x32xf32> -> vector<32x256xf32>
    %add3A_406 = arith.constant 16 : i32
    %add3A_407 = vector.broadcast %add3A_406 : i32 to vector<32x256xi32>
    %add3A_408 = arith.addi %add3A_407, %select_n3A : vector<32x256xi32>
    %convert_element_type3A_409 = arith.sitofp %add3A_408 : vector<32x256xi32> to vector<32x256xf32>
    %eq3A_410 = arith.cmpf oeq, %get3A_315, %convert_element_type3A_409 : vector<32x256xf32>
    %jit3A_411 = arith.constant 1.000000e+00 : f32
    %jit3A_412 = arith.constant -1.000000e+00 : f32
    %broadcast_in_dim3A_413 = vector.broadcast %jit3A_411 : f32 to vector<32x256xf32>
    %broadcast_in_dim3A_414 = vector.broadcast %jit3A_412 : f32 to vector<32x256xf32>
    %select_n3A_415 = arith.select %eq3A_410, %broadcast_in_dim3A_413, %broadcast_in_dim3A_414 : vector<32x256xi1>, vector<32x256xf32>
    %mul3A_416 = arith.constant 2.000000e+00 : f32
    %mul3A_417 = vector.broadcast %mul3A_416 : f32 to vector<32x256xf32>
    %mul3A_418 = arith.mulf %mul3A_417, %concatenate3A_405 : vector<32x256xf32>
    %sub3A_419 = arith.constant 1.000000e+00 : f32
    %sub3A_420 = vector.broadcast %sub3A_419 : f32 to vector<32x256xf32>
    %sub3A_421 = arith.subf %mul3A_418, %sub3A_420 : vector<32x256xf32>
    %mul3A_422 = arith.mulf %sub3A_421, %select_n3A_415 : vector<32x256xf32>
    %neg3A_423 = arith.constant 0.000000e+00 : f32
    %neg3A_424 = vector.broadcast %neg3A_423 : f32 to vector<32x256xf32>
    %neg3A_425 = arith.subf %neg3A_424, %mul3A_422 : vector<32x256xf32>
    %exp3A_426 = math.exp %neg3A_425 : vector<32x256xf32>
    %add3A_427 = arith.constant 1.000000e+00 : f32
    %add3A_428 = vector.broadcast %add3A_427 : f32 to vector<32x256xf32>
    %add3A_429 = arith.addf %add3A_428, %exp3A_426 : vector<32x256xf32>
    %log3A_430 = math.log %add3A_429 : vector<32x256xf32>
    %reduce_sum3A_431 = arith.constant dense<0.000000e+00> : vector<256xf32>
    %reduce_sum3A_432 = vector.multi_reduction <add>, %log3A_430, %reduce_sum3A_431 [0] : vector<32x256xf32> to vector<256xf32>
    %broadcast_in_dim3A_433 = vector.shape_cast %reduce_sum3A_432 : vector<256xf32> to vector<1x256xf32>
    %add3A_434 = arith.addf %add3A_300, %broadcast_in_dim3A_433 : vector<1x256xf32>
    %get3A_435 = arith.constant 0 : index
    %get3A_436 = arith.constant 96 : index
    %get3A_437 = arith.constant 0 : index
    %get3A_438 = vector.load %arg2[%get3A_435, %get3A_436, %get3A_437] : memref<1x256x256xf32, #tpu.memory_space<vmem>>, vector<1x32x256xf32>
    %get3A_439 = vector.shape_cast %get3A_438 : vector<1x32x256xf32> to vector<32x256xf32>
    %get3A_440 = arith.constant 0 : index
    %get3A_441 = arith.constant 96 : index
    %get3A_442 = arith.constant 0 : index
    %get3A_443 = vector.load %arg1[%get3A_440, %get3A_441, %get3A_442] : memref<1x256x256xf32, #tpu.memory_space<vmem>>, vector<1x32x256xf32>
    %get3A_444 = vector.shape_cast %get3A_443 : vector<1x32x256xf32> to vector<32x256xf32>
    %get3A_445 = arith.constant 0 : index
    %get3A_446 = arith.constant 96 : index
    %get3A_447 = arith.constant 0 : index
    %get3A_448 = vector.load %arg3[%get3A_445, %get3A_446, %get3A_447] : memref<1x256x256xf32, #tpu.memory_space<vmem>>, vector<1x32x256xf32>
    %get3A_449 = vector.shape_cast %get3A_448 : vector<1x32x256xf32> to vector<32x256xf32>
    %eq3A_450 = arith.constant 1.000000e+00 : f32
    %eq3A_451 = vector.broadcast %eq3A_450 : f32 to vector<32x256xf32>
    %eq3A_452 = arith.cmpf oeq, %get3A_439, %eq3A_451 : vector<32x256xf32>
    %convert_element_type3A_453 = arith.extui %eq3A_452 : vector<32x256xi1> to vector<32x256xi32>
    %convert_element_type3A_454 = arith.sitofp %convert_element_type3A_453 : vector<32x256xi32> to vector<32x256xf32>
    %sub3A_455 = arith.constant 1.000000e+00 : f32
    %sub3A_456 = vector.broadcast %sub3A_455 : f32 to vector<32x256xf32>
    %sub3A_457 = arith.subf %sub3A_456, %get3A_439 : vector<32x256xf32>
    %mul3A_458 = arith.mulf %sub3A_457, %sub3A_457 : vector<32x256xf32>
    %mul3A_459 = arith.mulf %sub3A_457, %sub3A_457 : vector<32x256xf32>
    %mul3A_460 = arith.mulf %mul3A_458, %mul3A_459 : vector<32x256xf32>
    %add3A_461 = arith.constant 9.99999993E-9 : f32
    %add3A_462 = vector.broadcast %add3A_461 : f32 to vector<32x256xf32>
    %add3A_463 = arith.addf %get3A_444, %add3A_462 : vector<32x256xf32>
    %log3A_464 = math.log %add3A_463 : vector<32x256xf32>
    %mul3A_465 = arith.mulf %convert_element_type3A_454, %log3A_464 : vector<32x256xf32>
    %sub3A_466 = arith.constant 1.000000e+00 : f32
    %sub3A_467 = vector.broadcast %sub3A_466 : f32 to vector<32x256xf32>
    %sub3A_468 = arith.subf %sub3A_467, %get3A_444 : vector<32x256xf32>
    %add3A_469 = arith.constant 9.99999993E-9 : f32
    %add3A_470 = vector.broadcast %add3A_469 : f32 to vector<32x256xf32>
    %add3A_471 = arith.addf %sub3A_468, %add3A_470 : vector<32x256xf32>
    %log3A_472 = math.log %add3A_471 : vector<32x256xf32>
    %mul3A_473 = arith.mulf %mul3A_460, %log3A_472 : vector<32x256xf32>
    %add3A_474 = arith.addf %mul3A_465, %mul3A_473 : vector<32x256xf32>
    %reduce_sum3A_475 = arith.constant dense<0.000000e+00> : vector<256xf32>
    %reduce_sum3A_476 = vector.multi_reduction <add>, %add3A_474, %reduce_sum3A_475 [0] : vector<32x256xf32> to vector<256xf32>
    %broadcast_in_dim3A_477 = vector.shape_cast %reduce_sum3A_476 : vector<256xf32> to vector<1x256xf32>
    %add3A_478 = arith.addf %add3A_344, %broadcast_in_dim3A_477 : vector<1x256xf32>
    %reduce_sum3A_479 = arith.constant dense<0.000000e+00> : vector<256xf32>
    %reduce_sum3A_480 = vector.multi_reduction <add>, %convert_element_type3A_454, %reduce_sum3A_479 [0] : vector<32x256xf32> to vector<256xf32>
    %broadcast_in_dim3A_481 = vector.shape_cast %reduce_sum3A_480 : vector<256xf32> to vector<1x256xf32>
    %add3A_482 = arith.addf %add3A_348, %broadcast_in_dim3A_481 : vector<1x256xf32>
    %get3A_483 = arith.constant 0 : index
    %get3A_484 = arith.constant 3 : index
    %get3A_485 = arith.constant 0 : index
    %get3A_486 = arith.constant 0 : index
    %get3A_487 = arith.constant 0 : index
    %get3A_488 = vector.load %arg12[%get3A_483, %get3A_484, %get3A_485, %get3A_486, %get3A_487] : memref<1x8x8x32x32xf32, #tpu.memory_space<vmem>>, vector<1x1x1x32x32xf32>
    %get3A_489 = vector.shape_cast %get3A_488 : vector<1x1x1x32x32xf32> to vector<32x32xf32>
    %get3A_490 = arith.constant 0 : index
    %get3A_491 = arith.constant 3 : index
    %get3A_492 = arith.constant 1 : index
    %get3A_493 = arith.constant 0 : index
    %get3A_494 = arith.constant 0 : index
    %get3A_495 = vector.load %arg12[%get3A_490, %get3A_491, %get3A_492, %get3A_493, %get3A_494] : memref<1x8x8x32x32xf32, #tpu.memory_space<vmem>>, vector<1x1x1x32x32xf32>
    %get3A_496 = vector.shape_cast %get3A_495 : vector<1x1x1x32x32xf32> to vector<32x32xf32>
    %get3A_497 = arith.constant 0 : index
    %get3A_498 = arith.constant 3 : index
    %get3A_499 = arith.constant 2 : index
    %get3A_500 = arith.constant 0 : index
    %get3A_501 = arith.constant 0 : index
    %get3A_502 = vector.load %arg12[%get3A_497, %get3A_498, %get3A_499, %get3A_500, %get3A_501] : memref<1x8x8x32x32xf32, #tpu.memory_space<vmem>>, vector<1x1x1x32x32xf32>
    %get3A_503 = vector.shape_cast %get3A_502 : vector<1x1x1x32x32xf32> to vector<32x32xf32>
    %get3A_504 = arith.constant 0 : index
    %get3A_505 = arith.constant 3 : index
    %get3A_506 = arith.constant 3 : index
    %get3A_507 = arith.constant 0 : index
    %get3A_508 = arith.constant 0 : index
    %get3A_509 = vector.load %arg12[%get3A_504, %get3A_505, %get3A_506, %get3A_507, %get3A_508] : memref<1x8x8x32x32xf32, #tpu.memory_space<vmem>>, vector<1x1x1x32x32xf32>
    %get3A_510 = vector.shape_cast %get3A_509 : vector<1x1x1x32x32xf32> to vector<32x32xf32>
    %get3A_511 = arith.constant 0 : index
    %get3A_512 = arith.constant 3 : index
    %get3A_513 = arith.constant 4 : index
    %get3A_514 = arith.constant 0 : index
    %get3A_515 = arith.constant 0 : index
    %get3A_516 = vector.load %arg12[%get3A_511, %get3A_512, %get3A_513, %get3A_514, %get3A_515] : memref<1x8x8x32x32xf32, #tpu.memory_space<vmem>>, vector<1x1x1x32x32xf32>
    %get3A_517 = vector.shape_cast %get3A_516 : vector<1x1x1x32x32xf32> to vector<32x32xf32>
    %get3A_518 = arith.constant 0 : index
    %get3A_519 = arith.constant 3 : index
    %get3A_520 = arith.constant 5 : index
    %get3A_521 = arith.constant 0 : index
    %get3A_522 = arith.constant 0 : index
    %get3A_523 = vector.load %arg12[%get3A_518, %get3A_519, %get3A_520, %get3A_521, %get3A_522] : memref<1x8x8x32x32xf32, #tpu.memory_space<vmem>>, vector<1x1x1x32x32xf32>
    %get3A_524 = vector.shape_cast %get3A_523 : vector<1x1x1x32x32xf32> to vector<32x32xf32>
    %get3A_525 = arith.constant 0 : index
    %get3A_526 = arith.constant 3 : index
    %get3A_527 = arith.constant 6 : index
    %get3A_528 = arith.constant 0 : index
    %get3A_529 = arith.constant 0 : index
    %get3A_530 = vector.load %arg12[%get3A_525, %get3A_526, %get3A_527, %get3A_528, %get3A_529] : memref<1x8x8x32x32xf32, #tpu.memory_space<vmem>>, vector<1x1x1x32x32xf32>
    %get3A_531 = vector.shape_cast %get3A_530 : vector<1x1x1x32x32xf32> to vector<32x32xf32>
    %get3A_532 = arith.constant 0 : index
    %get3A_533 = arith.constant 3 : index
    %get3A_534 = arith.constant 7 : index
    %get3A_535 = arith.constant 0 : index
    %get3A_536 = arith.constant 0 : index
    %get3A_537 = vector.load %arg12[%get3A_532, %get3A_533, %get3A_534, %get3A_535, %get3A_536] : memref<1x8x8x32x32xf32, #tpu.memory_space<vmem>>, vector<1x1x1x32x32xf32>
    %get3A_538 = vector.shape_cast %get3A_537 : vector<1x1x1x32x32xf32> to vector<32x32xf32>
    %concatenate3A_539 = tpu.concatenate %get3A_489, %get3A_496, %get3A_503, %get3A_510, %get3A_517, %get3A_524, %get3A_531, %get3A_538 in 1 : vector<32x32xf32>, vector<32x32xf32>, vector<32x32xf32>, vector<32x32xf32>, vector<32x32xf32>, vector<32x32xf32>, vector<32x32xf32>, vector<32x32xf32> -> vector<32x256xf32>
    %add3A_540 = arith.constant 24 : i32
    %add3A_541 = vector.broadcast %add3A_540 : i32 to vector<32x256xi32>
    %add3A_542 = arith.addi %add3A_541, %select_n3A : vector<32x256xi32>
    %convert_element_type3A_543 = arith.sitofp %add3A_542 : vector<32x256xi32> to vector<32x256xf32>
    %eq3A_544 = arith.cmpf oeq, %get3A_449, %convert_element_type3A_543 : vector<32x256xf32>
    %jit3A_545 = arith.constant 1.000000e+00 : f32
    %jit3A_546 = arith.constant -1.000000e+00 : f32
    %broadcast_in_dim3A_547 = vector.broadcast %jit3A_545 : f32 to vector<32x256xf32>
    %broadcast_in_dim3A_548 = vector.broadcast %jit3A_546 : f32 to vector<32x256xf32>
    %select_n3A_549 = arith.select %eq3A_544, %broadcast_in_dim3A_547, %broadcast_in_dim3A_548 : vector<32x256xi1>, vector<32x256xf32>
    %mul3A_550 = arith.constant 2.000000e+00 : f32
    %mul3A_551 = vector.broadcast %mul3A_550 : f32 to vector<32x256xf32>
    %mul3A_552 = arith.mulf %mul3A_551, %concatenate3A_539 : vector<32x256xf32>
    %sub3A_553 = arith.constant 1.000000e+00 : f32
    %sub3A_554 = vector.broadcast %sub3A_553 : f32 to vector<32x256xf32>
    %sub3A_555 = arith.subf %mul3A_552, %sub3A_554 : vector<32x256xf32>
    %mul3A_556 = arith.mulf %sub3A_555, %select_n3A_549 : vector<32x256xf32>
    %neg3A_557 = arith.constant 0.000000e+00 : f32
    %neg3A_558 = vector.broadcast %neg3A_557 : f32 to vector<32x256xf32>
    %neg3A_559 = arith.subf %neg3A_558, %mul3A_556 : vector<32x256xf32>
    %exp3A_560 = math.exp %neg3A_559 : vector<32x256xf32>
    %add3A_561 = arith.constant 1.000000e+00 : f32
    %add3A_562 = vector.broadcast %add3A_561 : f32 to vector<32x256xf32>
    %add3A_563 = arith.addf %add3A_562, %exp3A_560 : vector<32x256xf32>
    %log3A_564 = math.log %add3A_563 : vector<32x256xf32>
    %reduce_sum3A_565 = arith.constant dense<0.000000e+00> : vector<256xf32>
    %reduce_sum3A_566 = vector.multi_reduction <add>, %log3A_564, %reduce_sum3A_565 [0] : vector<32x256xf32> to vector<256xf32>
    %broadcast_in_dim3A_567 = vector.shape_cast %reduce_sum3A_566 : vector<256xf32> to vector<1x256xf32>
    %add3A_568 = arith.addf %add3A_434, %broadcast_in_dim3A_567 : vector<1x256xf32>
    %get3A_569 = arith.constant 0 : index
    %get3A_570 = arith.constant 128 : index
    %get3A_571 = arith.constant 0 : index
    %get3A_572 = vector.load %arg2[%get3A_569, %get3A_570, %get3A_571] : memref<1x256x256xf32, #tpu.memory_space<vmem>>, vector<1x32x256xf32>
    %get3A_573 = vector.shape_cast %get3A_572 : vector<1x32x256xf32> to vector<32x256xf32>
    %get3A_574 = arith.constant 0 : index
    %get3A_575 = arith.constant 128 : index
    %get3A_576 = arith.constant 0 : index
    %get3A_577 = vector.load %arg1[%get3A_574, %get3A_575, %get3A_576] : memref<1x256x256xf32, #tpu.memory_space<vmem>>, vector<1x32x256xf32>
    %get3A_578 = vector.shape_cast %get3A_577 : vector<1x32x256xf32> to vector<32x256xf32>
    %get3A_579 = arith.constant 0 : index
    %get3A_580 = arith.constant 128 : index
    %get3A_581 = arith.constant 0 : index
    %get3A_582 = vector.load %arg3[%get3A_579, %get3A_580, %get3A_581] : memref<1x256x256xf32, #tpu.memory_space<vmem>>, vector<1x32x256xf32>
    %get3A_583 = vector.shape_cast %get3A_582 : vector<1x32x256xf32> to vector<32x256xf32>
    %eq3A_584 = arith.constant 1.000000e+00 : f32
    %eq3A_585 = vector.broadcast %eq3A_584 : f32 to vector<32x256xf32>
    %eq3A_586 = arith.cmpf oeq, %get3A_573, %eq3A_585 : vector<32x256xf32>
    %convert_element_type3A_587 = arith.extui %eq3A_586 : vector<32x256xi1> to vector<32x256xi32>
    %convert_element_type3A_588 = arith.sitofp %convert_element_type3A_587 : vector<32x256xi32> to vector<32x256xf32>
    %sub3A_589 = arith.constant 1.000000e+00 : f32
    %sub3A_590 = vector.broadcast %sub3A_589 : f32 to vector<32x256xf32>
    %sub3A_591 = arith.subf %sub3A_590, %get3A_573 : vector<32x256xf32>
    %mul3A_592 = arith.mulf %sub3A_591, %sub3A_591 : vector<32x256xf32>
    %mul3A_593 = arith.mulf %sub3A_591, %sub3A_591 : vector<32x256xf32>
    %mul3A_594 = arith.mulf %mul3A_592, %mul3A_593 : vector<32x256xf32>
    %add3A_595 = arith.constant 9.99999993E-9 : f32
    %add3A_596 = vector.broadcast %add3A_595 : f32 to vector<32x256xf32>
    %add3A_597 = arith.addf %get3A_578, %add3A_596 : vector<32x256xf32>
    %log3A_598 = math.log %add3A_597 : vector<32x256xf32>
    %mul3A_599 = arith.mulf %convert_element_type3A_588, %log3A_598 : vector<32x256xf32>
    %sub3A_600 = arith.constant 1.000000e+00 : f32
    %sub3A_601 = vector.broadcast %sub3A_600 : f32 to vector<32x256xf32>
    %sub3A_602 = arith.subf %sub3A_601, %get3A_578 : vector<32x256xf32>
    %add3A_603 = arith.constant 9.99999993E-9 : f32
    %add3A_604 = vector.broadcast %add3A_603 : f32 to vector<32x256xf32>
    %add3A_605 = arith.addf %sub3A_602, %add3A_604 : vector<32x256xf32>
    %log3A_606 = math.log %add3A_605 : vector<32x256xf32>
    %mul3A_607 = arith.mulf %mul3A_594, %log3A_606 : vector<32x256xf32>
    %add3A_608 = arith.addf %mul3A_599, %mul3A_607 : vector<32x256xf32>
    %reduce_sum3A_609 = arith.constant dense<0.000000e+00> : vector<256xf32>
    %reduce_sum3A_610 = vector.multi_reduction <add>, %add3A_608, %reduce_sum3A_609 [0] : vector<32x256xf32> to vector<256xf32>
    %broadcast_in_dim3A_611 = vector.shape_cast %reduce_sum3A_610 : vector<256xf32> to vector<1x256xf32>
    %add3A_612 = arith.addf %add3A_478, %broadcast_in_dim3A_611 : vector<1x256xf32>
    %reduce_sum3A_613 = arith.constant dense<0.000000e+00> : vector<256xf32>
    %reduce_sum3A_614 = vector.multi_reduction <add>, %convert_element_type3A_588, %reduce_sum3A_613 [0] : vector<32x256xf32> to vector<256xf32>
    %broadcast_in_dim3A_615 = vector.shape_cast %reduce_sum3A_614 : vector<256xf32> to vector<1x256xf32>
    %add3A_616 = arith.addf %add3A_482, %broadcast_in_dim3A_615 : vector<1x256xf32>
    %get3A_617 = arith.constant 0 : index
    %get3A_618 = arith.constant 4 : index
    %get3A_619 = arith.constant 0 : index
    %get3A_620 = arith.constant 0 : index
    %get3A_621 = arith.constant 0 : index
    %get3A_622 = vector.load %arg12[%get3A_617, %get3A_618, %get3A_619, %get3A_620, %get3A_621] : memref<1x8x8x32x32xf32, #tpu.memory_space<vmem>>, vector<1x1x1x32x32xf32>
    %get3A_623 = vector.shape_cast %get3A_622 : vector<1x1x1x32x32xf32> to vector<32x32xf32>
    %get3A_624 = arith.constant 0 : index
    %get3A_625 = arith.constant 4 : index
    %get3A_626 = arith.constant 1 : index
    %get3A_627 = arith.constant 0 : index
    %get3A_628 = arith.constant 0 : index
    %get3A_629 = vector.load %arg12[%get3A_624, %get3A_625, %get3A_626, %get3A_627, %get3A_628] : memref<1x8x8x32x32xf32, #tpu.memory_space<vmem>>, vector<1x1x1x32x32xf32>
    %get3A_630 = vector.shape_cast %get3A_629 : vector<1x1x1x32x32xf32> to vector<32x32xf32>
    %get3A_631 = arith.constant 0 : index
    %get3A_632 = arith.constant 4 : index
    %get3A_633 = arith.constant 2 : index
    %get3A_634 = arith.constant 0 : index
    %get3A_635 = arith.constant 0 : index
    %get3A_636 = vector.load %arg12[%get3A_631, %get3A_632, %get3A_633, %get3A_634, %get3A_635] : memref<1x8x8x32x32xf32, #tpu.memory_space<vmem>>, vector<1x1x1x32x32xf32>
    %get3A_637 = vector.shape_cast %get3A_636 : vector<1x1x1x32x32xf32> to vector<32x32xf32>
    %get3A_638 = arith.constant 0 : index
    %get3A_639 = arith.constant 4 : index
    %get3A_640 = arith.constant 3 : index
    %get3A_641 = arith.constant 0 : index
    %get3A_642 = arith.constant 0 : index
    %get3A_643 = vector.load %arg12[%get3A_638, %get3A_639, %get3A_640, %get3A_641, %get3A_642] : memref<1x8x8x32x32xf32, #tpu.memory_space<vmem>>, vector<1x1x1x32x32xf32>
    %get3A_644 = vector.shape_cast %get3A_643 : vector<1x1x1x32x32xf32> to vector<32x32xf32>
    %get3A_645 = arith.constant 0 : index
    %get3A_646 = arith.constant 4 : index
    %get3A_647 = arith.constant 4 : index
    %get3A_648 = arith.constant 0 : index
    %get3A_649 = arith.constant 0 : index
    %get3A_650 = vector.load %arg12[%get3A_645, %get3A_646, %get3A_647, %get3A_648, %get3A_649] : memref<1x8x8x32x32xf32, #tpu.memory_space<vmem>>, vector<1x1x1x32x32xf32>
    %get3A_651 = vector.shape_cast %get3A_650 : vector<1x1x1x32x32xf32> to vector<32x32xf32>
    %get3A_652 = arith.constant 0 : index
    %get3A_653 = arith.constant 4 : index
    %get3A_654 = arith.constant 5 : index
    %get3A_655 = arith.constant 0 : index
    %get3A_656 = arith.constant 0 : index
    %get3A_657 = vector.load %arg12[%get3A_652, %get3A_653, %get3A_654, %get3A_655, %get3A_656] : memref<1x8x8x32x32xf32, #tpu.memory_space<vmem>>, vector<1x1x1x32x32xf32>
    %get3A_658 = vector.shape_cast %get3A_657 : vector<1x1x1x32x32xf32> to vector<32x32xf32>
    %get3A_659 = arith.constant 0 : index
    %get3A_660 = arith.constant 4 : index
    %get3A_661 = arith.constant 6 : index
    %get3A_662 = arith.constant 0 : index
    %get3A_663 = arith.constant 0 : index
    %get3A_664 = vector.load %arg12[%get3A_659, %get3A_660, %get3A_661, %get3A_662, %get3A_663] : memref<1x8x8x32x32xf32, #tpu.memory_space<vmem>>, vector<1x1x1x32x32xf32>
    %get3A_665 = vector.shape_cast %get3A_664 : vector<1x1x1x32x32xf32> to vector<32x32xf32>
    %get3A_666 = arith.constant 0 : index
    %get3A_667 = arith.constant 4 : index
    %get3A_668 = arith.constant 7 : index
    %get3A_669 = arith.constant 0 : index
    %get3A_670 = arith.constant 0 : index
    %get3A_671 = vector.load %arg12[%get3A_666, %get3A_667, %get3A_668, %get3A_669, %get3A_670] : memref<1x8x8x32x32xf32, #tpu.memory_space<vmem>>, vector<1x1x1x32x32xf32>
    %get3A_672 = vector.shape_cast %get3A_671 : vector<1x1x1x32x32xf32> to vector<32x32xf32>
    %concatenate3A_673 = tpu.concatenate %get3A_623, %get3A_630, %get3A_637, %get3A_644, %get3A_651, %get3A_658, %get3A_665, %get3A_672 in 1 : vector<32x32xf32>, vector<32x32xf32>, vector<32x32xf32>, vector<32x32xf32>, vector<32x32xf32>, vector<32x32xf32>, vector<32x32xf32>, vector<32x32xf32> -> vector<32x256xf32>
    %add3A_674 = arith.constant 32 : i32
    %add3A_675 = vector.broadcast %add3A_674 : i32 to vector<32x256xi32>
    %add3A_676 = arith.addi %add3A_675, %select_n3A : vector<32x256xi32>
    %convert_element_type3A_677 = arith.sitofp %add3A_676 : vector<32x256xi32> to vector<32x256xf32>
    %eq3A_678 = arith.cmpf oeq, %get3A_583, %convert_element_type3A_677 : vector<32x256xf32>
    %jit3A_679 = arith.constant 1.000000e+00 : f32
    %jit3A_680 = arith.constant -1.000000e+00 : f32
    %broadcast_in_dim3A_681 = vector.broadcast %jit3A_679 : f32 to vector<32x256xf32>
    %broadcast_in_dim3A_682 = vector.broadcast %jit3A_680 : f32 to vector<32x256xf32>
    %select_n3A_683 = arith.select %eq3A_678, %broadcast_in_dim3A_681, %broadcast_in_dim3A_682 : vector<32x256xi1>, vector<32x256xf32>
    %mul3A_684 = arith.constant 2.000000e+00 : f32
    %mul3A_685 = vector.broadcast %mul3A_684 : f32 to vector<32x256xf32>
    %mul3A_686 = arith.mulf %mul3A_685, %concatenate3A_673 : vector<32x256xf32>
    %sub3A_687 = arith.constant 1.000000e+00 : f32
    %sub3A_688 = vector.broadcast %sub3A_687 : f32 to vector<32x256xf32>
    %sub3A_689 = arith.subf %mul3A_686, %sub3A_688 : vector<32x256xf32>
    %mul3A_690 = arith.mulf %sub3A_689, %select_n3A_683 : vector<32x256xf32>
    %neg3A_691 = arith.constant 0.000000e+00 : f32
    %neg3A_692 = vector.broadcast %neg3A_691 : f32 to vector<32x256xf32>
    %neg3A_693 = arith.subf %neg3A_692, %mul3A_690 : vector<32x256xf32>
    %exp3A_694 = math.exp %neg3A_693 : vector<32x256xf32>
    %add3A_695 = arith.constant 1.000000e+00 : f32
    %add3A_696 = vector.broadcast %add3A_695 : f32 to vector<32x256xf32>
    %add3A_697 = arith.addf %add3A_696, %exp3A_694 : vector<32x256xf32>
    %log3A_698 = math.log %add3A_697 : vector<32x256xf32>
    %reduce_sum3A_699 = arith.constant dense<0.000000e+00> : vector<256xf32>
    %reduce_sum3A_700 = vector.multi_reduction <add>, %log3A_698, %reduce_sum3A_699 [0] : vector<32x256xf32> to vector<256xf32>
    %broadcast_in_dim3A_701 = vector.shape_cast %reduce_sum3A_700 : vector<256xf32> to vector<1x256xf32>
    %add3A_702 = arith.addf %add3A_568, %broadcast_in_dim3A_701 : vector<1x256xf32>
    %get3A_703 = arith.constant 0 : index
    %get3A_704 = arith.constant 160 : index
    %get3A_705 = arith.constant 0 : index
    %get3A_706 = vector.load %arg2[%get3A_703, %get3A_704, %get3A_705] : memref<1x256x256xf32, #tpu.memory_space<vmem>>, vector<1x32x256xf32>
    %get3A_707 = vector.shape_cast %get3A_706 : vector<1x32x256xf32> to vector<32x256xf32>
    %get3A_708 = arith.constant 0 : index
    %get3A_709 = arith.constant 160 : index
    %get3A_710 = arith.constant 0 : index
    %get3A_711 = vector.load %arg1[%get3A_708, %get3A_709, %get3A_710] : memref<1x256x256xf32, #tpu.memory_space<vmem>>, vector<1x32x256xf32>
    %get3A_712 = vector.shape_cast %get3A_711 : vector<1x32x256xf32> to vector<32x256xf32>
    %get3A_713 = arith.constant 0 : index
    %get3A_714 = arith.constant 160 : index
    %get3A_715 = arith.constant 0 : index
    %get3A_716 = vector.load %arg3[%get3A_713, %get3A_714, %get3A_715] : memref<1x256x256xf32, #tpu.memory_space<vmem>>, vector<1x32x256xf32>
    %get3A_717 = vector.shape_cast %get3A_716 : vector<1x32x256xf32> to vector<32x256xf32>
    %eq3A_718 = arith.constant 1.000000e+00 : f32
    %eq3A_719 = vector.broadcast %eq3A_718 : f32 to vector<32x256xf32>
    %eq3A_720 = arith.cmpf oeq, %get3A_707, %eq3A_719 : vector<32x256xf32>
    %convert_element_type3A_721 = arith.extui %eq3A_720 : vector<32x256xi1> to vector<32x256xi32>
    %convert_element_type3A_722 = arith.sitofp %convert_element_type3A_721 : vector<32x256xi32> to vector<32x256xf32>
    %sub3A_723 = arith.constant 1.000000e+00 : f32
    %sub3A_724 = vector.broadcast %sub3A_723 : f32 to vector<32x256xf32>
    %sub3A_725 = arith.subf %sub3A_724, %get3A_707 : vector<32x256xf32>
    %mul3A_726 = arith.mulf %sub3A_725, %sub3A_725 : vector<32x256xf32>
    %mul3A_727 = arith.mulf %sub3A_725, %sub3A_725 : vector<32x256xf32>
    %mul3A_728 = arith.mulf %mul3A_726, %mul3A_727 : vector<32x256xf32>
    %add3A_729 = arith.constant 9.99999993E-9 : f32
    %add3A_730 = vector.broadcast %add3A_729 : f32 to vector<32x256xf32>
    %add3A_731 = arith.addf %get3A_712, %add3A_730 : vector<32x256xf32>
    %log3A_732 = math.log %add3A_731 : vector<32x256xf32>
    %mul3A_733 = arith.mulf %convert_element_type3A_722, %log3A_732 : vector<32x256xf32>
    %sub3A_734 = arith.constant 1.000000e+00 : f32
    %sub3A_735 = vector.broadcast %sub3A_734 : f32 to vector<32x256xf32>
    %sub3A_736 = arith.subf %sub3A_735, %get3A_712 : vector<32x256xf32>
    %add3A_737 = arith.constant 9.99999993E-9 : f32
    %add3A_738 = vector.broadcast %add3A_737 : f32 to vector<32x256xf32>
    %add3A_739 = arith.addf %sub3A_736, %add3A_738 : vector<32x256xf32>
    %log3A_740 = math.log %add3A_739 : vector<32x256xf32>
    %mul3A_741 = arith.mulf %mul3A_728, %log3A_740 : vector<32x256xf32>
    %add3A_742 = arith.addf %mul3A_733, %mul3A_741 : vector<32x256xf32>
    %reduce_sum3A_743 = arith.constant dense<0.000000e+00> : vector<256xf32>
    %reduce_sum3A_744 = vector.multi_reduction <add>, %add3A_742, %reduce_sum3A_743 [0] : vector<32x256xf32> to vector<256xf32>
    %broadcast_in_dim3A_745 = vector.shape_cast %reduce_sum3A_744 : vector<256xf32> to vector<1x256xf32>
    %add3A_746 = arith.addf %add3A_612, %broadcast_in_dim3A_745 : vector<1x256xf32>
    %reduce_sum3A_747 = arith.constant dense<0.000000e+00> : vector<256xf32>
    %reduce_sum3A_748 = vector.multi_reduction <add>, %convert_element_type3A_722, %reduce_sum3A_747 [0] : vector<32x256xf32> to vector<256xf32>
    %broadcast_in_dim3A_749 = vector.shape_cast %reduce_sum3A_748 : vector<256xf32> to vector<1x256xf32>
    %add3A_750 = arith.addf %add3A_616, %broadcast_in_dim3A_749 : vector<1x256xf32>
    %get3A_751 = arith.constant 0 : index
    %get3A_752 = arith.constant 5 : index
    %get3A_753 = arith.constant 0 : index
    %get3A_754 = arith.constant 0 : index
    %get3A_755 = arith.constant 0 : index
    %get3A_756 = vector.load %arg12[%get3A_751, %get3A_752, %get3A_753, %get3A_754, %get3A_755] : memref<1x8x8x32x32xf32, #tpu.memory_space<vmem>>, vector<1x1x1x32x32xf32>
    %get3A_757 = vector.shape_cast %get3A_756 : vector<1x1x1x32x32xf32> to vector<32x32xf32>
    %get3A_758 = arith.constant 0 : index
    %get3A_759 = arith.constant 5 : index
    %get3A_760 = arith.constant 1 : index
    %get3A_761 = arith.constant 0 : index
    %get3A_762 = arith.constant 0 : index
    %get3A_763 = vector.load %arg12[%get3A_758, %get3A_759, %get3A_760, %get3A_761, %get3A_762] : memref<1x8x8x32x32xf32, #tpu.memory_space<vmem>>, vector<1x1x1x32x32xf32>
    %get3A_764 = vector.shape_cast %get3A_763 : vector<1x1x1x32x32xf32> to vector<32x32xf32>
    %get3A_765 = arith.constant 0 : index
    %get3A_766 = arith.constant 5 : index
    %get3A_767 = arith.constant 2 : index
    %get3A_768 = arith.constant 0 : index
    %get3A_769 = arith.constant 0 : index
    %get3A_770 = vector.load %arg12[%get3A_765, %get3A_766, %get3A_767, %get3A_768, %get3A_769] : memref<1x8x8x32x32xf32, #tpu.memory_space<vmem>>, vector<1x1x1x32x32xf32>
    %get3A_771 = vector.shape_cast %get3A_770 : vector<1x1x1x32x32xf32> to vector<32x32xf32>
    %get3A_772 = arith.constant 0 : index
    %get3A_773 = arith.constant 5 : index
    %get3A_774 = arith.constant 3 : index
    %get3A_775 = arith.constant 0 : index
    %get3A_776 = arith.constant 0 : index
    %get3A_777 = vector.load %arg12[%get3A_772, %get3A_773, %get3A_774, %get3A_775, %get3A_776] : memref<1x8x8x32x32xf32, #tpu.memory_space<vmem>>, vector<1x1x1x32x32xf32>
    %get3A_778 = vector.shape_cast %get3A_777 : vector<1x1x1x32x32xf32> to vector<32x32xf32>
    %get3A_779 = arith.constant 0 : index
    %get3A_780 = arith.constant 5 : index
    %get3A_781 = arith.constant 4 : index
    %get3A_782 = arith.constant 0 : index
    %get3A_783 = arith.constant 0 : index
    %get3A_784 = vector.load %arg12[%get3A_779, %get3A_780, %get3A_781, %get3A_782, %get3A_783] : memref<1x8x8x32x32xf32, #tpu.memory_space<vmem>>, vector<1x1x1x32x32xf32>
    %get3A_785 = vector.shape_cast %get3A_784 : vector<1x1x1x32x32xf32> to vector<32x32xf32>
    %get3A_786 = arith.constant 0 : index
    %get3A_787 = arith.constant 5 : index
    %get3A_788 = arith.constant 5 : index
    %get3A_789 = arith.constant 0 : index
    %get3A_790 = arith.constant 0 : index
    %get3A_791 = vector.load %arg12[%get3A_786, %get3A_787, %get3A_788, %get3A_789, %get3A_790] : memref<1x8x8x32x32xf32, #tpu.memory_space<vmem>>, vector<1x1x1x32x32xf32>
    %get3A_792 = vector.shape_cast %get3A_791 : vector<1x1x1x32x32xf32> to vector<32x32xf32>
    %get3A_793 = arith.constant 0 : index
    %get3A_794 = arith.constant 5 : index
    %get3A_795 = arith.constant 6 : index
    %get3A_796 = arith.constant 0 : index
    %get3A_797 = arith.constant 0 : index
    %get3A_798 = vector.load %arg12[%get3A_793, %get3A_794, %get3A_795, %get3A_796, %get3A_797] : memref<1x8x8x32x32xf32, #tpu.memory_space<vmem>>, vector<1x1x1x32x32xf32>
    %get3A_799 = vector.shape_cast %get3A_798 : vector<1x1x1x32x32xf32> to vector<32x32xf32>
    %get3A_800 = arith.constant 0 : index
    %get3A_801 = arith.constant 5 : index
    %get3A_802 = arith.constant 7 : index
    %get3A_803 = arith.constant 0 : index
    %get3A_804 = arith.constant 0 : index
    %get3A_805 = vector.load %arg12[%get3A_800, %get3A_801, %get3A_802, %get3A_803, %get3A_804] : memref<1x8x8x32x32xf32, #tpu.memory_space<vmem>>, vector<1x1x1x32x32xf32>
    %get3A_806 = vector.shape_cast %get3A_805 : vector<1x1x1x32x32xf32> to vector<32x32xf32>
    %concatenate3A_807 = tpu.concatenate %get3A_757, %get3A_764, %get3A_771, %get3A_778, %get3A_785, %get3A_792, %get3A_799, %get3A_806 in 1 : vector<32x32xf32>, vector<32x32xf32>, vector<32x32xf32>, vector<32x32xf32>, vector<32x32xf32>, vector<32x32xf32>, vector<32x32xf32>, vector<32x32xf32> -> vector<32x256xf32>
    %add3A_808 = arith.constant 40 : i32
    %add3A_809 = vector.broadcast %add3A_808 : i32 to vector<32x256xi32>
    %add3A_810 = arith.addi %add3A_809, %select_n3A : vector<32x256xi32>
    %convert_element_type3A_811 = arith.sitofp %add3A_810 : vector<32x256xi32> to vector<32x256xf32>
    %eq3A_812 = arith.cmpf oeq, %get3A_717, %convert_element_type3A_811 : vector<32x256xf32>
    %jit3A_813 = arith.constant 1.000000e+00 : f32
    %jit3A_814 = arith.constant -1.000000e+00 : f32
    %broadcast_in_dim3A_815 = vector.broadcast %jit3A_813 : f32 to vector<32x256xf32>
    %broadcast_in_dim3A_816 = vector.broadcast %jit3A_814 : f32 to vector<32x256xf32>
    %select_n3A_817 = arith.select %eq3A_812, %broadcast_in_dim3A_815, %broadcast_in_dim3A_816 : vector<32x256xi1>, vector<32x256xf32>
    %mul3A_818 = arith.constant 2.000000e+00 : f32
    %mul3A_819 = vector.broadcast %mul3A_818 : f32 to vector<32x256xf32>
    %mul3A_820 = arith.mulf %mul3A_819, %concatenate3A_807 : vector<32x256xf32>
    %sub3A_821 = arith.constant 1.000000e+00 : f32
    %sub3A_822 = vector.broadcast %sub3A_821 : f32 to vector<32x256xf32>
    %sub3A_823 = arith.subf %mul3A_820, %sub3A_822 : vector<32x256xf32>
    %mul3A_824 = arith.mulf %sub3A_823, %select_n3A_817 : vector<32x256xf32>
    %neg3A_825 = arith.constant 0.000000e+00 : f32
    %neg3A_826 = vector.broadcast %neg3A_825 : f32 to vector<32x256xf32>
    %neg3A_827 = arith.subf %neg3A_826, %mul3A_824 : vector<32x256xf32>
    %exp3A_828 = math.exp %neg3A_827 : vector<32x256xf32>
    %add3A_829 = arith.constant 1.000000e+00 : f32
    %add3A_830 = vector.broadcast %add3A_829 : f32 to vector<32x256xf32>
    %add3A_831 = arith.addf %add3A_830, %exp3A_828 : vector<32x256xf32>
    %log3A_832 = math.log %add3A_831 : vector<32x256xf32>
    %reduce_sum3A_833 = arith.constant dense<0.000000e+00> : vector<256xf32>
    %reduce_sum3A_834 = vector.multi_reduction <add>, %log3A_832, %reduce_sum3A_833 [0] : vector<32x256xf32> to vector<256xf32>
    %broadcast_in_dim3A_835 = vector.shape_cast %reduce_sum3A_834 : vector<256xf32> to vector<1x256xf32>
    %add3A_836 = arith.addf %add3A_702, %broadcast_in_dim3A_835 : vector<1x256xf32>
    %get3A_837 = arith.constant 0 : index
    %get3A_838 = arith.constant 192 : index
    %get3A_839 = arith.constant 0 : index
    %get3A_840 = vector.load %arg2[%get3A_837, %get3A_838, %get3A_839] : memref<1x256x256xf32, #tpu.memory_space<vmem>>, vector<1x32x256xf32>
    %get3A_841 = vector.shape_cast %get3A_840 : vector<1x32x256xf32> to vector<32x256xf32>
    %get3A_842 = arith.constant 0 : index
    %get3A_843 = arith.constant 192 : index
    %get3A_844 = arith.constant 0 : index
    %get3A_845 = vector.load %arg1[%get3A_842, %get3A_843, %get3A_844] : memref<1x256x256xf32, #tpu.memory_space<vmem>>, vector<1x32x256xf32>
    %get3A_846 = vector.shape_cast %get3A_845 : vector<1x32x256xf32> to vector<32x256xf32>
    %get3A_847 = arith.constant 0 : index
    %get3A_848 = arith.constant 192 : index
    %get3A_849 = arith.constant 0 : index
    %get3A_850 = vector.load %arg3[%get3A_847, %get3A_848, %get3A_849] : memref<1x256x256xf32, #tpu.memory_space<vmem>>, vector<1x32x256xf32>
    %get3A_851 = vector.shape_cast %get3A_850 : vector<1x32x256xf32> to vector<32x256xf32>
    %eq3A_852 = arith.constant 1.000000e+00 : f32
    %eq3A_853 = vector.broadcast %eq3A_852 : f32 to vector<32x256xf32>
    %eq3A_854 = arith.cmpf oeq, %get3A_841, %eq3A_853 : vector<32x256xf32>
    %convert_element_type3A_855 = arith.extui %eq3A_854 : vector<32x256xi1> to vector<32x256xi32>
    %convert_element_type3A_856 = arith.sitofp %convert_element_type3A_855 : vector<32x256xi32> to vector<32x256xf32>
    %sub3A_857 = arith.constant 1.000000e+00 : f32
    %sub3A_858 = vector.broadcast %sub3A_857 : f32 to vector<32x256xf32>
    %sub3A_859 = arith.subf %sub3A_858, %get3A_841 : vector<32x256xf32>
    %mul3A_860 = arith.mulf %sub3A_859, %sub3A_859 : vector<32x256xf32>
    %mul3A_861 = arith.mulf %sub3A_859, %sub3A_859 : vector<32x256xf32>
    %mul3A_862 = arith.mulf %mul3A_860, %mul3A_861 : vector<32x256xf32>
    %add3A_863 = arith.constant 9.99999993E-9 : f32
    %add3A_864 = vector.broadcast %add3A_863 : f32 to vector<32x256xf32>
    %add3A_865 = arith.addf %get3A_846, %add3A_864 : vector<32x256xf32>
    %log3A_866 = math.log %add3A_865 : vector<32x256xf32>
    %mul3A_867 = arith.mulf %convert_element_type3A_856, %log3A_866 : vector<32x256xf32>
    %sub3A_868 = arith.constant 1.000000e+00 : f32
    %sub3A_869 = vector.broadcast %sub3A_868 : f32 to vector<32x256xf32>
    %sub3A_870 = arith.subf %sub3A_869, %get3A_846 : vector<32x256xf32>
    %add3A_871 = arith.constant 9.99999993E-9 : f32
    %add3A_872 = vector.broadcast %add3A_871 : f32 to vector<32x256xf32>
    %add3A_873 = arith.addf %sub3A_870, %add3A_872 : vector<32x256xf32>
    %log3A_874 = math.log %add3A_873 : vector<32x256xf32>
    %mul3A_875 = arith.mulf %mul3A_862, %log3A_874 : vector<32x256xf32>
    %add3A_876 = arith.addf %mul3A_867, %mul3A_875 : vector<32x256xf32>
    %reduce_sum3A_877 = arith.constant dense<0.000000e+00> : vector<256xf32>
    %reduce_sum3A_878 = vector.multi_reduction <add>, %add3A_876, %reduce_sum3A_877 [0] : vector<32x256xf32> to vector<256xf32>
    %broadcast_in_dim3A_879 = vector.shape_cast %reduce_sum3A_878 : vector<256xf32> to vector<1x256xf32>
    %add3A_880 = arith.addf %add3A_746, %broadcast_in_dim3A_879 : vector<1x256xf32>
    %reduce_sum3A_881 = arith.constant dense<0.000000e+00> : vector<256xf32>
    %reduce_sum3A_882 = vector.multi_reduction <add>, %convert_element_type3A_856, %reduce_sum3A_881 [0] : vector<32x256xf32> to vector<256xf32>
    %broadcast_in_dim3A_883 = vector.shape_cast %reduce_sum3A_882 : vector<256xf32> to vector<1x256xf32>
    %add3A_884 = arith.addf %add3A_750, %broadcast_in_dim3A_883 : vector<1x256xf32>
    %get3A_885 = arith.constant 0 : index
    %get3A_886 = arith.constant 6 : index
    %get3A_887 = arith.constant 0 : index
    %get3A_888 = arith.constant 0 : index
    %get3A_889 = arith.constant 0 : index
    %get3A_890 = vector.load %arg12[%get3A_885, %get3A_886, %get3A_887, %get3A_888, %get3A_889] : memref<1x8x8x32x32xf32, #tpu.memory_space<vmem>>, vector<1x1x1x32x32xf32>
    %get3A_891 = vector.shape_cast %get3A_890 : vector<1x1x1x32x32xf32> to vector<32x32xf32>
    %get3A_892 = arith.constant 0 : index
    %get3A_893 = arith.constant 6 : index
    %get3A_894 = arith.constant 1 : index
    %get3A_895 = arith.constant 0 : index
    %get3A_896 = arith.constant 0 : index
    %get3A_897 = vector.load %arg12[%get3A_892, %get3A_893, %get3A_894, %get3A_895, %get3A_896] : memref<1x8x8x32x32xf32, #tpu.memory_space<vmem>>, vector<1x1x1x32x32xf32>
    %get3A_898 = vector.shape_cast %get3A_897 : vector<1x1x1x32x32xf32> to vector<32x32xf32>
    %get3A_899 = arith.constant 0 : index
    %get3A_900 = arith.constant 6 : index
    %get3A_901 = arith.constant 2 : index
    %get3A_902 = arith.constant 0 : index
    %get3A_903 = arith.constant 0 : index
    %get3A_904 = vector.load %arg12[%get3A_899, %get3A_900, %get3A_901, %get3A_902, %get3A_903] : memref<1x8x8x32x32xf32, #tpu.memory_space<vmem>>, vector<1x1x1x32x32xf32>
    %get3A_905 = vector.shape_cast %get3A_904 : vector<1x1x1x32x32xf32> to vector<32x32xf32>
    %get3A_906 = arith.constant 0 : index
    %get3A_907 = arith.constant 6 : index
    %get3A_908 = arith.constant 3 : index
    %get3A_909 = arith.constant 0 : index
    %get3A_910 = arith.constant 0 : index
    %get3A_911 = vector.load %arg12[%get3A_906, %get3A_907, %get3A_908, %get3A_909, %get3A_910] : memref<1x8x8x32x32xf32, #tpu.memory_space<vmem>>, vector<1x1x1x32x32xf32>
    %get3A_912 = vector.shape_cast %get3A_911 : vector<1x1x1x32x32xf32> to vector<32x32xf32>
    %get3A_913 = arith.constant 0 : index
    %get3A_914 = arith.constant 6 : index
    %get3A_915 = arith.constant 4 : index
    %get3A_916 = arith.constant 0 : index
    %get3A_917 = arith.constant 0 : index
    %get3A_918 = vector.load %arg12[%get3A_913, %get3A_914, %get3A_915, %get3A_916, %get3A_917] : memref<1x8x8x32x32xf32, #tpu.memory_space<vmem>>, vector<1x1x1x32x32xf32>
    %get3A_919 = vector.shape_cast %get3A_918 : vector<1x1x1x32x32xf32> to vector<32x32xf32>
    %get3A_920 = arith.constant 0 : index
    %get3A_921 = arith.constant 6 : index
    %get3A_922 = arith.constant 5 : index
    %get3A_923 = arith.constant 0 : index
    %get3A_924 = arith.constant 0 : index
    %get3A_925 = vector.load %arg12[%get3A_920, %get3A_921, %get3A_922, %get3A_923, %get3A_924] : memref<1x8x8x32x32xf32, #tpu.memory_space<vmem>>, vector<1x1x1x32x32xf32>
    %get3A_926 = vector.shape_cast %get3A_925 : vector<1x1x1x32x32xf32> to vector<32x32xf32>
    %get3A_927 = arith.constant 0 : index
    %get3A_928 = arith.constant 6 : index
    %get3A_929 = arith.constant 6 : index
    %get3A_930 = arith.constant 0 : index
    %get3A_931 = arith.constant 0 : index
    %get3A_932 = vector.load %arg12[%get3A_927, %get3A_928, %get3A_929, %get3A_930, %get3A_931] : memref<1x8x8x32x32xf32, #tpu.memory_space<vmem>>, vector<1x1x1x32x32xf32>
    %get3A_933 = vector.shape_cast %get3A_932 : vector<1x1x1x32x32xf32> to vector<32x32xf32>
    %get3A_934 = arith.constant 0 : index
    %get3A_935 = arith.constant 6 : index
    %get3A_936 = arith.constant 7 : index
    %get3A_937 = arith.constant 0 : index
    %get3A_938 = arith.constant 0 : index
    %get3A_939 = vector.load %arg12[%get3A_934, %get3A_935, %get3A_936, %get3A_937, %get3A_938] : memref<1x8x8x32x32xf32, #tpu.memory_space<vmem>>, vector<1x1x1x32x32xf32>
    %get3A_940 = vector.shape_cast %get3A_939 : vector<1x1x1x32x32xf32> to vector<32x32xf32>
    %concatenate3A_941 = tpu.concatenate %get3A_891, %get3A_898, %get3A_905, %get3A_912, %get3A_919, %get3A_926, %get3A_933, %get3A_940 in 1 : vector<32x32xf32>, vector<32x32xf32>, vector<32x32xf32>, vector<32x32xf32>, vector<32x32xf32>, vector<32x32xf32>, vector<32x32xf32>, vector<32x32xf32> -> vector<32x256xf32>
    %add3A_942 = arith.constant 48 : i32
    %add3A_943 = vector.broadcast %add3A_942 : i32 to vector<32x256xi32>
    %add3A_944 = arith.addi %add3A_943, %select_n3A : vector<32x256xi32>
    %convert_element_type3A_945 = arith.sitofp %add3A_944 : vector<32x256xi32> to vector<32x256xf32>
    %eq3A_946 = arith.cmpf oeq, %get3A_851, %convert_element_type3A_945 : vector<32x256xf32>
    %jit3A_947 = arith.constant 1.000000e+00 : f32
    %jit3A_948 = arith.constant -1.000000e+00 : f32
    %broadcast_in_dim3A_949 = vector.broadcast %jit3A_947 : f32 to vector<32x256xf32>
    %broadcast_in_dim3A_950 = vector.broadcast %jit3A_948 : f32 to vector<32x256xf32>
    %select_n3A_951 = arith.select %eq3A_946, %broadcast_in_dim3A_949, %broadcast_in_dim3A_950 : vector<32x256xi1>, vector<32x256xf32>
    %mul3A_952 = arith.constant 2.000000e+00 : f32
    %mul3A_953 = vector.broadcast %mul3A_952 : f32 to vector<32x256xf32>
    %mul3A_954 = arith.mulf %mul3A_953, %concatenate3A_941 : vector<32x256xf32>
    %sub3A_955 = arith.constant 1.000000e+00 : f32
    %sub3A_956 = vector.broadcast %sub3A_955 : f32 to vector<32x256xf32>
    %sub3A_957 = arith.subf %mul3A_954, %sub3A_956 : vector<32x256xf32>
    %mul3A_958 = arith.mulf %sub3A_957, %select_n3A_951 : vector<32x256xf32>
    %neg3A_959 = arith.constant 0.000000e+00 : f32
    %neg3A_960 = vector.broadcast %neg3A_959 : f32 to vector<32x256xf32>
    %neg3A_961 = arith.subf %neg3A_960, %mul3A_958 : vector<32x256xf32>
    %exp3A_962 = math.exp %neg3A_961 : vector<32x256xf32>
    %add3A_963 = arith.constant 1.000000e+00 : f32
    %add3A_964 = vector.broadcast %add3A_963 : f32 to vector<32x256xf32>
    %add3A_965 = arith.addf %add3A_964, %exp3A_962 : vector<32x256xf32>
    %log3A_966 = math.log %add3A_965 : vector<32x256xf32>
    %reduce_sum3A_967 = arith.constant dense<0.000000e+00> : vector<256xf32>
    %reduce_sum3A_968 = vector.multi_reduction <add>, %log3A_966, %reduce_sum3A_967 [0] : vector<32x256xf32> to vector<256xf32>
    %broadcast_in_dim3A_969 = vector.shape_cast %reduce_sum3A_968 : vector<256xf32> to vector<1x256xf32>
    %add3A_970 = arith.addf %add3A_836, %broadcast_in_dim3A_969 : vector<1x256xf32>
    %get3A_971 = arith.constant 0 : index
    %get3A_972 = arith.constant 224 : index
    %get3A_973 = arith.constant 0 : index
    %get3A_974 = vector.load %arg2[%get3A_971, %get3A_972, %get3A_973] : memref<1x256x256xf32, #tpu.memory_space<vmem>>, vector<1x32x256xf32>
    %get3A_975 = vector.shape_cast %get3A_974 : vector<1x32x256xf32> to vector<32x256xf32>
    %get3A_976 = arith.constant 0 : index
    %get3A_977 = arith.constant 224 : index
    %get3A_978 = arith.constant 0 : index
    %get3A_979 = vector.load %arg1[%get3A_976, %get3A_977, %get3A_978] : memref<1x256x256xf32, #tpu.memory_space<vmem>>, vector<1x32x256xf32>
    %get3A_980 = vector.shape_cast %get3A_979 : vector<1x32x256xf32> to vector<32x256xf32>
    %get3A_981 = arith.constant 0 : index
    %get3A_982 = arith.constant 224 : index
    %get3A_983 = arith.constant 0 : index
    %get3A_984 = vector.load %arg3[%get3A_981, %get3A_982, %get3A_983] : memref<1x256x256xf32, #tpu.memory_space<vmem>>, vector<1x32x256xf32>
    %get3A_985 = vector.shape_cast %get3A_984 : vector<1x32x256xf32> to vector<32x256xf32>
    %eq3A_986 = arith.constant 1.000000e+00 : f32
    %eq3A_987 = vector.broadcast %eq3A_986 : f32 to vector<32x256xf32>
    %eq3A_988 = arith.cmpf oeq, %get3A_975, %eq3A_987 : vector<32x256xf32>
    %convert_element_type3A_989 = arith.extui %eq3A_988 : vector<32x256xi1> to vector<32x256xi32>
    %convert_element_type3A_990 = arith.sitofp %convert_element_type3A_989 : vector<32x256xi32> to vector<32x256xf32>
    %sub3A_991 = arith.constant 1.000000e+00 : f32
    %sub3A_992 = vector.broadcast %sub3A_991 : f32 to vector<32x256xf32>
    %sub3A_993 = arith.subf %sub3A_992, %get3A_975 : vector<32x256xf32>
    %mul3A_994 = arith.mulf %sub3A_993, %sub3A_993 : vector<32x256xf32>
    %mul3A_995 = arith.mulf %sub3A_993, %sub3A_993 : vector<32x256xf32>
    %mul3A_996 = arith.mulf %mul3A_994, %mul3A_995 : vector<32x256xf32>
    %add3A_997 = arith.constant 9.99999993E-9 : f32
    %add3A_998 = vector.broadcast %add3A_997 : f32 to vector<32x256xf32>
    %add3A_999 = arith.addf %get3A_980, %add3A_998 : vector<32x256xf32>
    %log3A_1000 = math.log %add3A_999 : vector<32x256xf32>
    %mul3A_1001 = arith.mulf %convert_element_type3A_990, %log3A_1000 : vector<32x256xf32>
    %sub3A_1002 = arith.constant 1.000000e+00 : f32
    %sub3A_1003 = vector.broadcast %sub3A_1002 : f32 to vector<32x256xf32>
    %sub3A_1004 = arith.subf %sub3A_1003, %get3A_980 : vector<32x256xf32>
    %add3A_1005 = arith.constant 9.99999993E-9 : f32
    %add3A_1006 = vector.broadcast %add3A_1005 : f32 to vector<32x256xf32>
    %add3A_1007 = arith.addf %sub3A_1004, %add3A_1006 : vector<32x256xf32>
    %log3A_1008 = math.log %add3A_1007 : vector<32x256xf32>
    %mul3A_1009 = arith.mulf %mul3A_996, %log3A_1008 : vector<32x256xf32>
    %add3A_1010 = arith.addf %mul3A_1001, %mul3A_1009 : vector<32x256xf32>
    %reduce_sum3A_1011 = arith.constant dense<0.000000e+00> : vector<256xf32>
    %reduce_sum3A_1012 = vector.multi_reduction <add>, %add3A_1010, %reduce_sum3A_1011 [0] : vector<32x256xf32> to vector<256xf32>
    %broadcast_in_dim3A_1013 = vector.shape_cast %reduce_sum3A_1012 : vector<256xf32> to vector<1x256xf32>
    %add3A_1014 = arith.addf %add3A_880, %broadcast_in_dim3A_1013 : vector<1x256xf32>
    %reduce_sum3A_1015 = arith.constant dense<0.000000e+00> : vector<256xf32>
    %reduce_sum3A_1016 = vector.multi_reduction <add>, %convert_element_type3A_990, %reduce_sum3A_1015 [0] : vector<32x256xf32> to vector<256xf32>
    %broadcast_in_dim3A_1017 = vector.shape_cast %reduce_sum3A_1016 : vector<256xf32> to vector<1x256xf32>
    %add3A_1018 = arith.addf %add3A_884, %broadcast_in_dim3A_1017 : vector<1x256xf32>
    %get3A_1019 = arith.constant 0 : index
    %get3A_1020 = arith.constant 7 : index
    %get3A_1021 = arith.constant 0 : index
    %get3A_1022 = arith.constant 0 : index
    %get3A_1023 = arith.constant 0 : index
    %get3A_1024 = vector.load %arg12[%get3A_1019, %get3A_1020, %get3A_1021, %get3A_1022, %get3A_1023] : memref<1x8x8x32x32xf32, #tpu.memory_space<vmem>>, vector<1x1x1x32x32xf32>
    %get3A_1025 = vector.shape_cast %get3A_1024 : vector<1x1x1x32x32xf32> to vector<32x32xf32>
    %get3A_1026 = arith.constant 0 : index
    %get3A_1027 = arith.constant 7 : index
    %get3A_1028 = arith.constant 1 : index
    %get3A_1029 = arith.constant 0 : index
    %get3A_1030 = arith.constant 0 : index
    %get3A_1031 = vector.load %arg12[%get3A_1026, %get3A_1027, %get3A_1028, %get3A_1029, %get3A_1030] : memref<1x8x8x32x32xf32, #tpu.memory_space<vmem>>, vector<1x1x1x32x32xf32>
    %get3A_1032 = vector.shape_cast %get3A_1031 : vector<1x1x1x32x32xf32> to vector<32x32xf32>
    %get3A_1033 = arith.constant 0 : index
    %get3A_1034 = arith.constant 7 : index
    %get3A_1035 = arith.constant 2 : index
    %get3A_1036 = arith.constant 0 : index
    %get3A_1037 = arith.constant 0 : index
    %get3A_1038 = vector.load %arg12[%get3A_1033, %get3A_1034, %get3A_1035, %get3A_1036, %get3A_1037] : memref<1x8x8x32x32xf32, #tpu.memory_space<vmem>>, vector<1x1x1x32x32xf32>
    %get3A_1039 = vector.shape_cast %get3A_1038 : vector<1x1x1x32x32xf32> to vector<32x32xf32>
    %get3A_1040 = arith.constant 0 : index
    %get3A_1041 = arith.constant 7 : index
    %get3A_1042 = arith.constant 3 : index
    %get3A_1043 = arith.constant 0 : index
    %get3A_1044 = arith.constant 0 : index
    %get3A_1045 = vector.load %arg12[%get3A_1040, %get3A_1041, %get3A_1042, %get3A_1043, %get3A_1044] : memref<1x8x8x32x32xf32, #tpu.memory_space<vmem>>, vector<1x1x1x32x32xf32>
    %get3A_1046 = vector.shape_cast %get3A_1045 : vector<1x1x1x32x32xf32> to vector<32x32xf32>
    %get3A_1047 = arith.constant 0 : index
    %get3A_1048 = arith.constant 7 : index
    %get3A_1049 = arith.constant 4 : index
    %get3A_1050 = arith.constant 0 : index
    %get3A_1051 = arith.constant 0 : index
    %get3A_1052 = vector.load %arg12[%get3A_1047, %get3A_1048, %get3A_1049, %get3A_1050, %get3A_1051] : memref<1x8x8x32x32xf32, #tpu.memory_space<vmem>>, vector<1x1x1x32x32xf32>
    %get3A_1053 = vector.shape_cast %get3A_1052 : vector<1x1x1x32x32xf32> to vector<32x32xf32>
    %get3A_1054 = arith.constant 0 : index
    %get3A_1055 = arith.constant 7 : index
    %get3A_1056 = arith.constant 5 : index
    %get3A_1057 = arith.constant 0 : index
    %get3A_1058 = arith.constant 0 : index
    %get3A_1059 = vector.load %arg12[%get3A_1054, %get3A_1055, %get3A_1056, %get3A_1057, %get3A_1058] : memref<1x8x8x32x32xf32, #tpu.memory_space<vmem>>, vector<1x1x1x32x32xf32>
    %get3A_1060 = vector.shape_cast %get3A_1059 : vector<1x1x1x32x32xf32> to vector<32x32xf32>
    %get3A_1061 = arith.constant 0 : index
    %get3A_1062 = arith.constant 7 : index
    %get3A_1063 = arith.constant 6 : index
    %get3A_1064 = arith.constant 0 : index
    %get3A_1065 = arith.constant 0 : index
    %get3A_1066 = vector.load %arg12[%get3A_1061, %get3A_1062, %get3A_1063, %get3A_1064, %get3A_1065] : memref<1x8x8x32x32xf32, #tpu.memory_space<vmem>>, vector<1x1x1x32x32xf32>
    %get3A_1067 = vector.shape_cast %get3A_1066 : vector<1x1x1x32x32xf32> to vector<32x32xf32>
    %get3A_1068 = arith.constant 0 : index
    %get3A_1069 = arith.constant 7 : index
    %get3A_1070 = arith.constant 7 : index
    %get3A_1071 = arith.constant 0 : index
    %get3A_1072 = arith.constant 0 : index
    %get3A_1073 = vector.load %arg12[%get3A_1068, %get3A_1069, %get3A_1070, %get3A_1071, %get3A_1072] : memref<1x8x8x32x32xf32, #tpu.memory_space<vmem>>, vector<1x1x1x32x32xf32>
    %get3A_1074 = vector.shape_cast %get3A_1073 : vector<1x1x1x32x32xf32> to vector<32x32xf32>
    %concatenate3A_1075 = tpu.concatenate %get3A_1025, %get3A_1032, %get3A_1039, %get3A_1046, %get3A_1053, %get3A_1060, %get3A_1067, %get3A_1074 in 1 : vector<32x32xf32>, vector<32x32xf32>, vector<32x32xf32>, vector<32x32xf32>, vector<32x32xf32>, vector<32x32xf32>, vector<32x32xf32>, vector<32x32xf32> -> vector<32x256xf32>
    %add3A_1076 = arith.constant 56 : i32
    %add3A_1077 = vector.broadcast %add3A_1076 : i32 to vector<32x256xi32>
    %add3A_1078 = arith.addi %add3A_1077, %select_n3A : vector<32x256xi32>
    %convert_element_type3A_1079 = arith.sitofp %add3A_1078 : vector<32x256xi32> to vector<32x256xf32>
    %eq3A_1080 = arith.cmpf oeq, %get3A_985, %convert_element_type3A_1079 : vector<32x256xf32>
    %jit3A_1081 = arith.constant 1.000000e+00 : f32
    %jit3A_1082 = arith.constant -1.000000e+00 : f32
    %broadcast_in_dim3A_1083 = vector.broadcast %jit3A_1081 : f32 to vector<32x256xf32>
    %broadcast_in_dim3A_1084 = vector.broadcast %jit3A_1082 : f32 to vector<32x256xf32>
    %select_n3A_1085 = arith.select %eq3A_1080, %broadcast_in_dim3A_1083, %broadcast_in_dim3A_1084 : vector<32x256xi1>, vector<32x256xf32>
    %mul3A_1086 = arith.constant 2.000000e+00 : f32
    %mul3A_1087 = vector.broadcast %mul3A_1086 : f32 to vector<32x256xf32>
    %mul3A_1088 = arith.mulf %mul3A_1087, %concatenate3A_1075 : vector<32x256xf32>
    %sub3A_1089 = arith.constant 1.000000e+00 : f32
    %sub3A_1090 = vector.broadcast %sub3A_1089 : f32 to vector<32x256xf32>
    %sub3A_1091 = arith.subf %mul3A_1088, %sub3A_1090 : vector<32x256xf32>
    %mul3A_1092 = arith.mulf %sub3A_1091, %select_n3A_1085 : vector<32x256xf32>
    %neg3A_1093 = arith.constant 0.000000e+00 : f32
    %neg3A_1094 = vector.broadcast %neg3A_1093 : f32 to vector<32x256xf32>
    %neg3A_1095 = arith.subf %neg3A_1094, %mul3A_1092 : vector<32x256xf32>
    %exp3A_1096 = math.exp %neg3A_1095 : vector<32x256xf32>
    %add3A_1097 = arith.constant 1.000000e+00 : f32
    %add3A_1098 = vector.broadcast %add3A_1097 : f32 to vector<32x256xf32>
    %add3A_1099 = arith.addf %add3A_1098, %exp3A_1096 : vector<32x256xf32>
    %log3A_1100 = math.log %add3A_1099 : vector<32x256xf32>
    %reduce_sum3A_1101 = arith.constant dense<0.000000e+00> : vector<256xf32>
    %reduce_sum3A_1102 = vector.multi_reduction <add>, %log3A_1100, %reduce_sum3A_1101 [0] : vector<32x256xf32> to vector<256xf32>
    %broadcast_in_dim3A_1103 = vector.shape_cast %reduce_sum3A_1102 : vector<256xf32> to vector<1x256xf32>
    %add3A_1104 = arith.addf %add3A_970, %broadcast_in_dim3A_1103 : vector<1x256xf32>
    %get3A_1105 = arith.constant 0 : index
    %get3A_1106 = arith.constant 0 : index
    %get3A_1107 = vector.load %arg15[%get3A_1105, %get3A_1106] : memref<8x256xf32, #tpu.memory_space<vmem>>, vector<1x256xf32>
    %add3A_1108 = arith.addf %get3A_1107, %add3A_1014 : vector<1x256xf32>
    %swap3A = arith.constant 0 : index
    %swap3A_1109 = arith.constant 0 : index
    %swap3A_1110 = vector.load %arg15[%swap3A, %swap3A_1109] : memref<8x256xf32, #tpu.memory_space<vmem>>, vector<1x256xf32>
    tpu.vector_store %arg15[%swap3A, %swap3A_1109], %add3A_1108 {strides = array<i32>} : memref<8x256xf32, #tpu.memory_space<vmem>>, vector<1x256xf32>,
    %get3A_1111 = arith.constant 1 : index
    %get3A_1112 = arith.constant 0 : index
    %get3A_1113 = vector.load %arg15[%get3A_1111, %get3A_1112] : memref<8x256xf32, #tpu.memory_space<vmem>>, vector<1x256xf32>
    %add3A_1114 = arith.addf %get3A_1113, %add3A_1018 : vector<1x256xf32>
    %swap3A_1115 = arith.constant 1 : index
    %swap3A_1116 = arith.constant 0 : index
    %swap3A_1117 = vector.load %arg15[%swap3A_1115, %swap3A_1116] : memref<8x256xf32, #tpu.memory_space<vmem>>, vector<1x256xf32>
    tpu.vector_store %arg15[%swap3A_1115, %swap3A_1116], %add3A_1114 {strides = array<i32>} : memref<8x256xf32, #tpu.memory_space<vmem>>, vector<1x256xf32>,
    %get3A_1118 = arith.constant 2 : index
    %get3A_1119 = arith.constant 0 : index
    %get3A_1120 = vector.load %arg15[%get3A_1118, %get3A_1119] : memref<8x256xf32, #tpu.memory_space<vmem>>, vector<1x256xf32>
    %add3A_1121 = arith.addf %get3A_1120, %add3A_1104 : vector<1x256xf32>
    %swap3A_1122 = arith.constant 2 : index
    %swap3A_1123 = arith.constant 0 : index
    %swap3A_1124 = vector.load %arg15[%swap3A_1122, %swap3A_1123] : memref<8x256xf32, #tpu.memory_space<vmem>>, vector<1x256xf32>
    tpu.vector_store %arg15[%swap3A_1122, %swap3A_1123], %add3A_1121 {strides = array<i32>} : memref<8x256xf32, #tpu.memory_space<vmem>>, vector<1x256xf32>,
    %get3A_1125 = arith.constant 0 : index
    %get3A_1126 = arith.constant 0 : index
    %get3A_1127 = arith.constant 0 : index
    %get3A_1128 = vector.load %arg4[%get3A_1125, %get3A_1126, %get3A_1127] : memref<1x8x256xf32, #tpu.memory_space<vmem>>, vector<1x1x256xf32>
    %get3A_1129 = vector.shape_cast %get3A_1128 : vector<1x1x256xf32> to vector<1x256xf32>
    %get3A_1130 = arith.constant 0 : index
    %get3A_1131 = arith.constant 0 : index
    %get3A_1132 = arith.constant 0 : index
    %get3A_1133 = vector.load %arg5[%get3A_1130, %get3A_1131, %get3A_1132] : memref<1x8x256xf32, #tpu.memory_space<vmem>>, vector<1x1x256xf32>
    %get3A_1134 = vector.shape_cast %get3A_1133 : vector<1x1x256xf32> to vector<1x256xf32>
    %get3A_1135 = arith.constant 0 : index
    %get3A_1136 = arith.constant 0 : index
    %get3A_1137 = arith.constant 0 : index
    %get3A_1138 = vector.load %arg6[%get3A_1135, %get3A_1136, %get3A_1137] : memref<1x8x256xf32, #tpu.memory_space<vmem>>, vector<1x1x256xf32>
    %get3A_1139 = vector.shape_cast %get3A_1138 : vector<1x1x256xf32> to vector<1x256xf32>
    %get3A_1140 = arith.constant 0 : index
    %get3A_1141 = arith.constant 0 : index
    %get3A_1142 = arith.constant 0 : index
    %get3A_1143 = vector.load %arg7[%get3A_1140, %get3A_1141, %get3A_1142] : memref<1x8x256xf32, #tpu.memory_space<vmem>>, vector<1x1x256xf32>
    %get3A_1144 = vector.shape_cast %get3A_1143 : vector<1x1x256xf32> to vector<1x256xf32>
    %get3A_1145 = arith.constant 0 : index
    %get3A_1146 = arith.constant 0 : index
    %get3A_1147 = arith.constant 0 : index
    %get3A_1148 = vector.load %arg8[%get3A_1145, %get3A_1146, %get3A_1147] : memref<1x8x256xf32, #tpu.memory_space<vmem>>, vector<1x1x256xf32>
    %get3A_1149 = vector.shape_cast %get3A_1148 : vector<1x1x256xf32> to vector<1x256xf32>
    %get3A_1150 = arith.constant 0 : index
    %get3A_1151 = arith.constant 0 : index
    %get3A_1152 = arith.constant 0 : index
    %get3A_1153 = vector.load %arg9[%get3A_1150, %get3A_1151, %get3A_1152] : memref<1x8x256xf32, #tpu.memory_space<vmem>>, vector<1x1x256xf32>
    %get3A_1154 = vector.shape_cast %get3A_1153 : vector<1x1x256xf32> to vector<1x256xf32>
    %get3A_1155 = arith.constant 0 : index
    %get3A_1156 = arith.constant 0 : index
    %get3A_1157 = arith.constant 0 : index
    %get3A_1158 = vector.load %arg10[%get3A_1155, %get3A_1156, %get3A_1157] : memref<1x8x256xf32, #tpu.memory_space<vmem>>, vector<1x1x256xf32>
    %get3A_1159 = vector.shape_cast %get3A_1158 : vector<1x1x256xf32> to vector<1x256xf32>
    %get3A_1160 = arith.constant 0 : index
    %get3A_1161 = arith.constant 0 : index
    %get3A_1162 = arith.constant 0 : index
    %get3A_1163 = vector.load %arg11[%get3A_1160, %get3A_1161, %get3A_1162] : memref<1x8x256xf32, #tpu.memory_space<vmem>>, vector<1x1x256xf32>
    %get3A_1164 = vector.shape_cast %get3A_1163 : vector<1x1x256xf32> to vector<1x256xf32>
    %concatenate3A_1165 = tpu.concatenate %get3A_1129, %get3A_1134, %get3A_1139, %get3A_1144, %get3A_1149, %get3A_1154, %get3A_1159, %get3A_1164 in 0 : vector<1x256xf32>, vector<1x256xf32>, vector<1x256xf32>, vector<1x256xf32>, vector<1x256xf32>, vector<1x256xf32>, vector<1x256xf32>, vector<1x256xf32> -> vector<8x256xf32>
    %dot_general3A = arith.constant dense<0.000000e+00> : vector<8x8xf32>
    %dot_general3A_1166 = tpu.matmul %concatenate3A_1165, %convert_element_type3A_29, %dot_general3A {dimension_numbers = #tpu.dot_dimension_numbers<[1], [0], [0], [1], [0, 0, 1, 1], [], []>, transpose_lhs_hint = false} : vector<8x256xf32>, vector<256x8xf32>, vector<8x8xf32> -> vector<8x8xf32>
    %mul3A_1167 = arith.constant 8 : i32
    %mul3A_1168 = arith.muli %mul3A_1167, %arg0 : i32
    %swap3A_1169 = arith.index_cast %mul3A_1168 : i32 to index
    %swap3A_1170 = arith.constant 0 : index
    %swap3A_1171 = vector.load %arg16[%swap3A_1169, %swap3A_1170] : memref<32x8xf32, #tpu.memory_space<vmem>>, vector<8x8xf32>
    tpu.vector_store %arg16[%swap3A_1169, %swap3A_1170], %dot_general3A_1166 {strides = array<i32>} : memref<32x8xf32, #tpu.memory_space<vmem>>, vector<8x8xf32>,
    %eq3A_1172 = arith.constant 3 : i32
    %eq3A_1173 = arith.cmpi eq, %arg0, %eq3A_1172 : i32
    %convert_element_type3A_1174 = arith.extui %eq3A_1173 : i1 to i32
    %cond3A_1175 = arith.constant 0 : i32
    %cond3A_1176 = arith.cmpi ne, %convert_element_type3A_1174, %cond3A_1175 : i32
    scf.if %cond3A_1176 {
      %get3A_1177 = arith.constant 0 : index
      %get3A_1178 = arith.constant 0 : index
      %get3A_1179 = vector.load %arg15[%get3A_1177, %get3A_1178] : memref<8x256xf32, #tpu.memory_space<vmem>>, vector<1x256xf32>
      %reduce_sum3A_1180 = vector.shape_cast %get3A_1179 : vector<1x256xf32> to vector<1x1x256xf32>
      %reduce_sum3A_1181 = arith.constant dense<0.000000e+00> : vector<1xf32>
      %reduce_sum3A_1182 = vector.multi_reduction <add>, %reduce_sum3A_1180, %reduce_sum3A_1181 [1, 2] : vector<1x1x256xf32> to vector<1xf32>
      %reduce_sum3A_1183 = vector.shape_cast %reduce_sum3A_1182 : vector<1xf32> to vector<1x1x1xf32>
      %reduce_sum3A_1184 = vector.extract %reduce_sum3A_1183[0, 0, 0] : f32 from vector<1x1x1xf32>
      %get3A_1185 = arith.constant 1 : index
      %get3A_1186 = arith.constant 0 : index
      %get3A_1187 = vector.load %arg15[%get3A_1185, %get3A_1186] : memref<8x256xf32, #tpu.memory_space<vmem>>, vector<1x256xf32>
      %reduce_sum3A_1188 = vector.shape_cast %get3A_1187 : vector<1x256xf32> to vector<1x1x256xf32>
      %reduce_sum3A_1189 = arith.constant dense<0.000000e+00> : vector<1xf32>
      %reduce_sum3A_1190 = vector.multi_reduction <add>, %reduce_sum3A_1188, %reduce_sum3A_1189 [1, 2] : vector<1x1x256xf32> to vector<1xf32>
      %reduce_sum3A_1191 = vector.shape_cast %reduce_sum3A_1190 : vector<1xf32> to vector<1x1x1xf32>
      %reduce_sum3A_1192 = vector.extract %reduce_sum3A_1191[0, 0, 0] : f32 from vector<1x1x1xf32>
      %get3A_1193 = arith.constant 2 : index
      %get3A_1194 = arith.constant 0 : index
      %get3A_1195 = vector.load %arg15[%get3A_1193, %get3A_1194] : memref<8x256xf32, #tpu.memory_space<vmem>>, vector<1x256xf32>
      %reduce_sum3A_1196 = vector.shape_cast %get3A_1195 : vector<1x256xf32> to vector<1x1x256xf32>
      %reduce_sum3A_1197 = arith.constant dense<0.000000e+00> : vector<1xf32>
      %reduce_sum3A_1198 = vector.multi_reduction <add>, %reduce_sum3A_1196, %reduce_sum3A_1197 [1, 2] : vector<1x1x256xf32> to vector<1xf32>
      %reduce_sum3A_1199 = vector.shape_cast %reduce_sum3A_1198 : vector<1xf32> to vector<1x1x1xf32>
      %reduce_sum3A_1200 = vector.extract %reduce_sum3A_1199[0, 0, 0] : f32 from vector<1x1x1xf32>
      %neg3A_1201 = arith.constant 0.000000e+00 : f32
      %neg3A_1202 = arith.subf %neg3A_1201, %reduce_sum3A_1184 : f32
      %div3A_1203 = arith.divf %neg3A_1202, %reduce_sum3A_1192 : f32
      %div3A_1204 = arith.constant 2.621440e+05 : f32
      %div3A_1205 = arith.divf %reduce_sum3A_1200, %div3A_1204 : f32
      %iota3A_1206 = tpu.iota {dimensions = array<i32: 0>} : vector<256x32xi32>
      %iota3A_1207 = tpu.iota {dimensions = array<i32: 1>} : vector<256x32xi32>
      %jit3A_1208 = arith.constant 8 : i32
      %div3A_1209 = vector.broadcast %jit3A_1208 : i32 to vector<256x32xi32>
      %div3A_1210 = arith.divsi %iota3A_1206, %div3A_1209 : vector<256x32xi32>
      %sign3A_1211 = arith.constant 0 : i32
      %sign3A_1212 = vector.broadcast %sign3A_1211 : i32 to vector<256x32xi32>
      %sign3A_1213 = arith.cmpi sgt, %iota3A_1206, %sign3A_1212 : vector<256x32xi32>
      %sign3A_1214 = arith.extui %sign3A_1213 : vector<256x32xi1> to vector<256x32xi32>
      %sign3A_1215 = arith.constant 0 : i32
      %sign3A_1216 = vector.broadcast %sign3A_1215 : i32 to vector<256x32xi32>
      %sign3A_1217 = arith.cmpi slt, %iota3A_1206, %sign3A_1216 : vector<256x32xi32>
      %sign3A_1218 = arith.extui %sign3A_1217 : vector<256x32xi1> to vector<256x32xi32>
      %sign3A_1219 = arith.subi %sign3A_1214, %sign3A_1218 : vector<256x32xi32>
      %sign3A_1220 = arith.constant 0 : i32
      %sign3A_1221 = arith.cmpi sgt, %jit3A_1208, %sign3A_1220 : i32
      %sign3A_1222 = arith.extui %sign3A_1221 : i1 to i32
      %sign3A_1223 = arith.constant 0 : i32
      %sign3A_1224 = arith.cmpi slt, %jit3A_1208, %sign3A_1223 : i32
      %sign3A_1225 = arith.extui %sign3A_1224 : i1 to i32
      %sign3A_1226 = arith.subi %sign3A_1222, %sign3A_1225 : i32
      %ne3A_1227 = vector.broadcast %sign3A_1226 : i32 to vector<256x32xi32>
      %ne3A_1228 = arith.cmpi ne, %sign3A_1219, %ne3A_1227 : vector<256x32xi32>
      %rem3A_1229 = vector.broadcast %jit3A_1208 : i32 to vector<256x32xi32>
      %rem3A_1230 = arith.remsi %iota3A_1206, %rem3A_1229 : vector<256x32xi32>
      %ne3A_1231 = arith.constant 0 : i32
      %ne3A_1232 = vector.broadcast %ne3A_1231 : i32 to vector<256x32xi32>
      %ne3A_1233 = arith.cmpi ne, %rem3A_1230, %ne3A_1232 : vector<256x32xi32>
      %and3A_1234 = arith.andi %ne3A_1228, %ne3A_1233 : vector<256x32xi1>
      %sub3A_1235 = arith.constant 1 : i32
      %sub3A_1236 = vector.broadcast %sub3A_1235 : i32 to vector<256x32xi32>
      %sub3A_1237 = arith.subi %div3A_1210, %sub3A_1236 : vector<256x32xi32>
      %select_n3A_1238 = arith.select %and3A_1234, %sub3A_1237, %div3A_1210 : vector<256x32xi1>, vector<256x32xi32>
      %eq3A_1239 = arith.cmpi eq, %iota3A_1207, %select_n3A_1238 : vector<256x32xi32>
      %convert_element_type3A_1240 = arith.extui %eq3A_1239 : vector<256x32xi1> to vector<256x32xi32>
      %convert_element_type3A_1241 = arith.sitofp %convert_element_type3A_1240 : vector<256x32xi32> to vector<256x32xf32>
      %iota3A_1242 = tpu.iota {dimensions = array<i32: 0>} : vector<256x8xi32>
      %jit3A_1243 = arith.constant 8 : i32
      %eq3A_1244 = arith.constant 0 : i32
      %eq3A_1245 = arith.cmpi eq, %jit3A_1243, %eq3A_1244 : i32
      %jit3A_1246 = arith.constant 1 : i32
      %select_n3A_1247 = arith.select %eq3A_1245, %jit3A_1246, %jit3A_1243 : i32
      %rem3A_1248 = vector.broadcast %select_n3A_1247 : i32 to vector<256x8xi32>
      %rem3A_1249 = arith.remsi %iota3A_1242, %rem3A_1248 : vector<256x8xi32>
      %ne3A_1250 = arith.constant 0 : i32
      %ne3A_1251 = vector.broadcast %ne3A_1250 : i32 to vector<256x8xi32>
      %ne3A_1252 = arith.cmpi ne, %rem3A_1249, %ne3A_1251 : vector<256x8xi32>
      %lt3A = arith.constant 0 : i32
      %lt3A_1253 = vector.broadcast %lt3A : i32 to vector<256x8xi32>
      %lt3A_1254 = arith.cmpi slt, %rem3A_1249, %lt3A_1253 : vector<256x8xi32>
      %lt3A_1255 = arith.constant 0 : i32
      %lt3A_1256 = arith.cmpi slt, %select_n3A_1247, %lt3A_1255 : i32
      %ne3A_1257 = vector.broadcast %lt3A_1256 : i1 to vector<256x8xi1>
      %ne3A_1258 = vector.broadcast %ne3A_1257 : vector<256x8xi1> to vector<256x8xi1>
      %ne3A_1259 = arith.xori %lt3A_1254, %ne3A_1258 : vector<256x8xi1>
      %and3A_1260 = arith.andi %ne3A_1259, %ne3A_1252 : vector<256x8xi1>
      %add3A_1261 = vector.broadcast %select_n3A_1247 : i32 to vector<256x8xi32>
      %add3A_1262 = arith.addi %rem3A_1249, %add3A_1261 : vector<256x8xi32>
      %select_n3A_1263 = arith.select %and3A_1260, %add3A_1262, %rem3A_1249 : vector<256x8xi1>, vector<256x8xi32>
      %iota3A_1264 = tpu.iota {dimensions = array<i32: 1>} : vector<256x8xi32>
      %eq3A_1265 = arith.cmpi eq, %iota3A_1264, %select_n3A_1263 : vector<256x8xi32>
      %get3A_1266 = arith.constant 0 : index
      %get3A_1267 = arith.constant 0 : index
      %get3A_1268 = vector.load %arg16[%get3A_1266, %get3A_1267] : memref<32x8xf32, #tpu.memory_space<vmem>>, vector<32x8xf32>
      %dot_general3A_1269 = arith.constant dense<0.000000e+00> : vector<256x8xf32>
      %dot_general3A_1270 = tpu.matmul %convert_element_type3A_1241, %get3A_1268, %dot_general3A_1269 {dimension_numbers = #tpu.dot_dimension_numbers<[1], [0], [0], [1], [0, 0, 1, 1], [], []>, transpose_lhs_hint = false} : vector<256x32xf32>, vector<32x8xf32>, vector<256x8xf32> -> vector<256x8xf32>
      %jit3A_1271 = arith.constant 0.000000e+00 : f32
      %broadcast_in_dim3A_1272 = vector.broadcast %jit3A_1271 : f32 to vector<256x8xf32>
      %select_n3A_1273 = arith.select %eq3A_1265, %dot_general3A_1270, %broadcast_in_dim3A_1272 : vector<256x8xi1>, vector<256x8xf32>
      %reduce_sum3A_1274 = arith.constant dense<0.000000e+00> : vector<256xf32>
      %reduce_sum3A_1275 = vector.multi_reduction <add>, %select_n3A_1273, %reduce_sum3A_1274 [1] : vector<256x8xf32> to vector<256xf32>
      %broadcast_in_dim3A_1276 = vector.shape_cast %reduce_sum3A_1275 : vector<256xf32> to vector<256x1xf32>
      %convert_element_type3A_1277 = arith.fptosi %broadcast_in_dim3A_1276 : vector<256x1xf32> to vector<256x1xi32>
      %get3A_1278 = arith.constant 0 : index
      %get3A_1279 = arith.constant 0 : index
      %get3A_1280 = vector.load %arg13[%get3A_1278, %get3A_1279] : memref<256x20xf32, #tpu.memory_space<vmem>>, vector<256x20xf32>
      %reduce_max3A = arith.constant dense<0xFF800000> : vector<256xf32>
      %reduce_max3A_1281 = vector.multi_reduction <maximumf>, %get3A_1280, %reduce_max3A [1] : vector<256x20xf32> to vector<256xf32>
      %broadcast_in_dim3A_1282 = vector.shape_cast %reduce_max3A_1281 : vector<256xf32> to vector<256x1xf32>
      %sub3A_1283 = vector.broadcast %broadcast_in_dim3A_1282 : vector<256x1xf32> to vector<256x20xf32>
      %sub3A_1284 = arith.subf %get3A_1280, %sub3A_1283 : vector<256x20xf32>
      %exp3A_1285 = math.exp %sub3A_1284 : vector<256x20xf32>
      %reduce_sum3A_1286 = arith.constant dense<0.000000e+00> : vector<256xf32>
      %reduce_sum3A_1287 = vector.multi_reduction <add>, %exp3A_1285, %reduce_sum3A_1286 [1] : vector<256x20xf32> to vector<256xf32>
      %broadcast_in_dim3A_1288 = vector.shape_cast %reduce_sum3A_1287 : vector<256xf32> to vector<256x1xf32>
      %log3A_1289 = math.log %broadcast_in_dim3A_1288 : vector<256x1xf32>
      %iota3A_1290 = tpu.iota {dimensions = array<i32: 1>} : vector<256x20xi32>
      %eq3A_1291 = vector.broadcast %convert_element_type3A_1277 : vector<256x1xi32> to vector<256x20xi32>
      %eq3A_1292 = arith.cmpi eq, %iota3A_1290, %eq3A_1291 : vector<256x20xi32>
      %jit3A_1293 = arith.constant 0.000000e+00 : f32
      %broadcast_in_dim3A_1294 = vector.broadcast %jit3A_1293 : f32 to vector<256x20xf32>
      %select_n3A_1295 = arith.select %eq3A_1292, %get3A_1280, %broadcast_in_dim3A_1294 : vector<256x20xi1>, vector<256x20xf32>
      %reduce_sum3A_1296 = arith.constant dense<0.000000e+00> : vector<256xf32>
      %reduce_sum3A_1297 = vector.multi_reduction <add>, %select_n3A_1295, %reduce_sum3A_1296 [1] : vector<256x20xf32> to vector<256xf32>
      %broadcast_in_dim3A_1298 = vector.shape_cast %reduce_sum3A_1297 : vector<256xf32> to vector<256x1xf32>
      %add3A_1299 = arith.addf %broadcast_in_dim3A_1282, %log3A_1289 : vector<256x1xf32>
      %sub3A_1300 = arith.subf %add3A_1299, %broadcast_in_dim3A_1298 : vector<256x1xf32>
      %reduce_sum3A_1301 = vector.shape_cast %sub3A_1300 : vector<256x1xf32> to vector<1x256x1xf32>
      %reduce_sum3A_1302 = arith.constant dense<0.000000e+00> : vector<1xf32>
      %reduce_sum3A_1303 = vector.multi_reduction <add>, %reduce_sum3A_1301, %reduce_sum3A_1302 [1, 2] : vector<1x256x1xf32> to vector<1xf32>
      %reduce_sum3A_1304 = vector.shape_cast %reduce_sum3A_1303 : vector<1xf32> to vector<1x1x1xf32>
      %reduce_sum3A_1305 = vector.extract %reduce_sum3A_1304[0, 0, 0] : f32 from vector<1x1x1xf32>
      %div3A_1306 = arith.constant 2.560000e+02 : f32
      %div3A_1307 = arith.divf %reduce_sum3A_1305, %div3A_1306 : f32
      %iota3A_1308 = tpu.iota {dimensions = array<i32: 1>} : vector<1x4xi32>
      %eq3A_1309 = arith.constant 0 : i32
      %eq3A_1310 = vector.broadcast %eq3A_1309 : i32 to vector<1x4xi32>
      %eq3A_1311 = arith.cmpi eq, %iota3A_1308, %eq3A_1310 : vector<1x4xi32>
      %eq3A_1312 = arith.constant 2 : i32
      %eq3A_1313 = vector.broadcast %eq3A_1312 : i32 to vector<1x4xi32>
      %eq3A_1314 = arith.cmpi eq, %iota3A_1308, %eq3A_1313 : vector<1x4xi32>
      %eq3A_1315 = arith.constant 3 : i32
      %eq3A_1316 = vector.broadcast %eq3A_1315 : i32 to vector<1x4xi32>
      %eq3A_1317 = arith.cmpi eq, %iota3A_1308, %eq3A_1316 : vector<1x4xi32>
      %jit3A_1318 = arith.constant 0.000000e+00 : f32
      %broadcast_in_dim3A_1319 = vector.broadcast %div3A_1307 : f32 to vector<1x4xf32>
      %broadcast_in_dim3A_1320 = vector.broadcast %jit3A_1318 : f32 to vector<1x4xf32>
      %select_n3A_1321 = arith.select %eq3A_1317, %broadcast_in_dim3A_1319, %broadcast_in_dim3A_1320 : vector<1x4xi1>, vector<1x4xf32>
      %broadcast_in_dim3A_1322 = vector.broadcast %div3A_1205 : f32 to vector<1x4xf32>
      %select_n3A_1323 = arith.select %eq3A_1314, %broadcast_in_dim3A_1322, %select_n3A_1321 : vector<1x4xi1>, vector<1x4xf32>
      %broadcast_in_dim3A_1324 = vector.broadcast %div3A_1203 : f32 to vector<1x4xf32>
      %select_n3A_1325 = arith.select %eq3A_1311, %broadcast_in_dim3A_1324, %select_n3A_1323 : vector<1x4xi1>, vector<1x4xf32>
      %swap3A_1326 = arith.constant 0 : index
      %swap3A_1327 = arith.constant 0 : index
      %swap3A_1328 = vector.load %arg14[%swap3A_1326, %swap3A_1327] : memref<1x4xf32, #tpu.memory_space<vmem>>, vector<1x4xf32>
      tpu.vector_store %arg14[%swap3A_1326, %swap3A_1327], %select_n3A_1325 {strides = array<i32>} : memref<1x4xf32, #tpu.memory_space<vmem>>, vector<1x4xf32>,
    } else {
    }
    return
  }
  func.func @transform_0(%arg0: i32) -> (i32, i32, i32) {
    %c0_i32 = arith.constant 0 : i32
    %c0_i32_0 = arith.constant 0 : i32
    %c0_i32_1 = arith.constant 0 : i32
    return %arg0, %c0_i32, %c0_i32_0 : i32, i32, i32
  }
  func.func @transform_1(%arg0: i32) -> (i32, i32, i32) {
    %mul3A = arith.constant 7 : i32
    %mul3A_0 = arith.muli %mul3A, %arg0 : i32
    %add3A = arith.constant 0 : i32
    %add3A_1 = arith.addi %mul3A_0, %add3A : i32
    %c0_i32 = arith.constant 0 : i32
    %c0_i32_2 = arith.constant 0 : i32
    %c0_i32_3 = arith.constant 0 : i32
    return %add3A_1, %c0_i32, %c0_i32_2 : i32, i32, i32
  }
  func.func @transform_2(%arg0: i32) -> (i32, i32, i32) {
    %mul3A = arith.constant 7 : i32
    %mul3A_0 = arith.muli %mul3A, %arg0 : i32
    %add3A = arith.constant 1 : i32
    %add3A_1 = arith.addi %mul3A_0, %add3A : i32
    %c0_i32 = arith.constant 0 : i32
    %c0_i32_2 = arith.constant 0 : i32
    %c0_i32_3 = arith.constant 0 : i32
    return %add3A_1, %c0_i32, %c0_i32_2 : i32, i32, i32
  }
  func.func @transform_3(%arg0: i32) -> (i32, i32, i32) {
    %mul3A = arith.constant 7 : i32
    %mul3A_0 = arith.muli %mul3A, %arg0 : i32
    %add3A = arith.constant 5 : i32
    %add3A_1 = arith.addi %mul3A_0, %add3A : i32
    %c2_i32 = arith.constant 2 : i32
    %c0_i32 = arith.constant 0 : i32
    %c0_i32_2 = arith.constant 0 : i32
    return %add3A_1, %c2_i32, %c0_i32 : i32, i32, i32
  }
  func.func @transform_4(%arg0: i32) -> (i32, i32, i32) {
    %mul3A = arith.constant 7 : i32
    %mul3A_0 = arith.muli %mul3A, %arg0 : i32
    %add3A = arith.constant 5 : i32
    %add3A_1 = arith.addi %mul3A_0, %add3A : i32
    %c6_i32 = arith.constant 6 : i32
    %c0_i32 = arith.constant 0 : i32
    %c0_i32_2 = arith.constant 0 : i32
    return %add3A_1, %c6_i32, %c0_i32 : i32, i32, i32
  }
  func.func @transform_5(%arg0: i32) -> (i32, i32, i32) {
    %mul3A = arith.constant 7 : i32
    %mul3A_0 = arith.muli %mul3A, %arg0 : i32
    %add3A = arith.constant 5 : i32
    %add3A_1 = arith.addi %mul3A_0, %add3A : i32
    %c10_i32 = arith.constant 10 : i32
    %c0_i32 = arith.constant 0 : i32
    %c0_i32_2 = arith.constant 0 : i32
    return %add3A_1, %c10_i32, %c0_i32 : i32, i32, i32
  }
  func.func @transform_6(%arg0: i32) -> (i32, i32, i32) {
    %mul3A = arith.constant 7 : i32
    %mul3A_0 = arith.muli %mul3A, %arg0 : i32
    %add3A = arith.constant 5 : i32
    %add3A_1 = arith.addi %mul3A_0, %add3A : i32
    %c14_i32 = arith.constant 14 : i32
    %c0_i32 = arith.constant 0 : i32
    %c0_i32_2 = arith.constant 0 : i32
    return %add3A_1, %c14_i32, %c0_i32 : i32, i32, i32
  }
  func.func @transform_7(%arg0: i32) -> (i32, i32, i32) {
    %mul3A = arith.constant 7 : i32
    %mul3A_0 = arith.muli %mul3A, %arg0 : i32
    %add3A = arith.constant 5 : i32
    %add3A_1 = arith.addi %mul3A_0, %add3A : i32
    %c18_i32 = arith.constant 18 : i32
    %c0_i32 = arith.constant 0 : i32
    %c0_i32_2 = arith.constant 0 : i32
    return %add3A_1, %c18_i32, %c0_i32 : i32, i32, i32
  }
  func.func @transform_8(%arg0: i32) -> (i32, i32, i32) {
    %mul3A = arith.constant 7 : i32
    %mul3A_0 = arith.muli %mul3A, %arg0 : i32
    %add3A = arith.constant 5 : i32
    %add3A_1 = arith.addi %mul3A_0, %add3A : i32
    %c22_i32 = arith.constant 22 : i32
    %c0_i32 = arith.constant 0 : i32
    %c0_i32_2 = arith.constant 0 : i32
    return %add3A_1, %c22_i32, %c0_i32 : i32, i32, i32
  }
  func.func @transform_9(%arg0: i32) -> (i32, i32, i32) {
    %mul3A = arith.constant 7 : i32
    %mul3A_0 = arith.muli %mul3A, %arg0 : i32
    %add3A = arith.constant 5 : i32
    %add3A_1 = arith.addi %mul3A_0, %add3A : i32
    %c26_i32 = arith.constant 26 : i32
    %c0_i32 = arith.constant 0 : i32
    %c0_i32_2 = arith.constant 0 : i32
    return %add3A_1, %c26_i32, %c0_i32 : i32, i32, i32
  }
  func.func @transform_10(%arg0: i32) -> (i32, i32, i32) {
    %mul3A = arith.constant 7 : i32
    %mul3A_0 = arith.muli %mul3A, %arg0 : i32
    %add3A = arith.constant 5 : i32
    %add3A_1 = arith.addi %mul3A_0, %add3A : i32
    %c30_i32 = arith.constant 30 : i32
    %c0_i32 = arith.constant 0 : i32
    %c0_i32_2 = arith.constant 0 : i32
    return %add3A_1, %c30_i32, %c0_i32 : i32, i32, i32
  }
  func.func @transform_11(%arg0: i32) -> (i32, i32, i32, i32, i32) {
    %c0_i32 = arith.constant 0 : i32
    %c0_i32_0 = arith.constant 0 : i32
    %c0_i32_1 = arith.constant 0 : i32
    %c0_i32_2 = arith.constant 0 : i32
    %c0_i32_3 = arith.constant 0 : i32
    return %arg0, %c0_i32, %c0_i32_0, %c0_i32_1, %c0_i32_2 : i32, i32, i32, i32, i32
  }
  func.func @transform_12(%arg0: i32) -> (i32, i32) {
    %c0_i32 = arith.constant 0 : i32
    %c0_i32_0 = arith.constant 0 : i32
    %c0_i32_1 = arith.constant 0 : i32
    return %c0_i32, %c0_i32_0 : i32, i32
  }
  func.func @transform_13(%arg0: i32) -> (i32, i32) {
    %c0_i32 = arith.constant 0 : i32
    %c0_i32_0 = arith.constant 0 : i32
    %c0_i32_1 = arith.constant 0 : i32
    return %c0_i32, %c0_i32_0 : i32, i32
  }
}

</mosaic_0001>

<sc_bundles>
// kernel: kernel.4.cloned.1.call-start
scs
__scs_entry_jumppad:
0x0: {  	(pc) =	sbr.rel $0x88, $3  }
0x1: {  	(tag) =	ssettag $0x0;
	lr =	simm.s32 $0x1  }
0x2: {  	[smem:$0x3F9C] =	sst lr;
	_ =	strace $0xD0000000  }
0x3: {  	_ = 	snop  }
0x4: {  	_ = 	snop  }
0x5: {  	_ = 	snop  }
0x6: {  	_ = 	snop  }
0x7: {  	_ = 	snop  }
__scs_overlays_trampoline_lowered:
0x8: {  	[smem:$0x3FAB] =	sst s0  }
0x9: {  	[smem:$0x3FAC] =	sst s1  }
0xa: {  	[smem:$0x3FAD] =	sst s2  }
0xb: {  	[smem:$0x3FAE] =	sst s3  }
0xc: {  	[smem:$0x3FAF] =	sst s4  }
0xd: {  	[smem:$0x3FB0] =	sst s5  }
0xe: {  	[smem:$0x3FB1] =	sst s6  }
0xf: {  	[smem:$0x3FB2] =	sst s7  }
0x10: {  	[smem:$0x3FB3] =	sst s8  }
0x11: {  	[smem:$0x3FB4] =	sst s9;
	s0 =	simm.s32 @!p0 $0x0  }
0x12: {  	s1 =	sld [smem:$0x3F9A];
	s0 =	simm.s32 @p0 $0x1  }
0x13: {  	[smem:$0x3FB5] =	sst s0;
	s0 =	simm.s32 @!p1 $0x0  }
0x14: {  	s2 =	sld [smem:$0x3F99];
	s0 =	simm.s32 @p1 $0x1  }
0x15: {  	[smem:$0x3FB6] =	sst s0;
	s0 =	simm.s32 @!p2 $0x0  }
0x16: {  	s3 =	sld [smem:$0x3FDB];
	s0 =	simm.s32 @p2 $0x1  }
0x17: {  	s4 =	simm.s32 $0x1BF5;
	[smem:$0x3FB8] =	sst s0  }
0x18: {  	s0 =	sld [smem:$0x3F9B];
	_ =	swait.ge [sflag:s4], $0x0  }
0x19: {  	s7 =	sld [smem:$0x3F9C]  }
0x1a: {  	s8 =	sadd.s32 $0xFFFFE003, lr  }
0x1b: {  	s9 =	sadd.s32 $0xFFFFFEF7, lr;
	s5 =	simm.s32 $0xFFFFFFFF;
	p2 =	slt.u32 s8, $0xFFFFF086  }
0x1c: {  	p1 =	slt.u32 s9, $0xF7A;
	s5 =	simm.s32 @!p2 $0x0  }
0x1d: {  	s5 =	simm.s32 @p1 $0x1;
	p0 =	seq.s32 s7, s2  }
0x1e: {  	s7 =	smul.u32 @!p0 $0xF7A, s2;
	p2 =	seq.s32 @!p0 s5, $0x0  }
0x1f: {  	s9 =	smul.u32 $0xF7A, s1;
	s8 =	simm.s32 @!p0 $0x1BF5;
	p2 =	por !p2, p0  }
0x20: {  	[sflag:s8] =	ssyncset.s32 @!p0 $0xFFFFF086;
	s6 =	sadd.s32 @!p0 s3, s7;
	s7 =	simm.s32 @!p0 $0x108  }
0x21: {  	s3 =	sadd.s32 s3, s9;
	s6 =	sadd.s32 @!p0 $0x88, s6;
	s7 =	simm.s32 @p2 $0x1082  }
0x22: {  	[simem:s7], [sflag:s8] =	dma.local @!p0 [hbm:s6], $0xF7A  }
0x23: {  	s9 =	sor.u32 $0xD0000000, s2;
	s6 =	simm.s32 $0x108;
	_ =	swait.ge @!p0 [sflag:s8], $0x0  }
0x24: {  	s3 =	sadd.s32 $0x88, s3;
	s6 =	simm.s32 @!p1 $0x1082;
	[sflag:s4] =	ssyncset.s32 $0xFFFFF086  }
0x25: {  	[simem:s6], [sflag:s4] =	dma.local [hbm:s3], $0xF7A  }
0x26: {  	[smem:$0x3F9C] =	sst s1;
	(tag) =	ssettag s2;
	_ =	strace s9  }
0x27: {  	s1 =	sld [smem:$0x3FAC]  }
0x28: {  	s2 =	sld [smem:$0x3FAD]  }
0x29: {  	s4 =	sld [smem:$0x3FAF]  }
0x2a: {  	p0 =	seq.s32 s5, $0x0;
	s5 =	sld [smem:$0x3FB0]  }
0x2b: {  	s6 =	sld [smem:$0x3FB1]  }
0x2c: {  	s7 =	sld [smem:$0x3FB2]  }
0x2d: {  	s3 =	simm.s32 $0x108;
	s8 =	sld [smem:$0x3FB3]  }
0x2e: {  	s3 =	simm.s32 @!p0 $0x1082;
	s9 =	sld [smem:$0x3FB4]  }
0x2f: {  	lr =	sadd.s32 s0, s3;
	s0 =	sld [smem:$0x3FAB]  }
0x30: {  	s3 =	sld [smem:$0x3FAE]  }
0x31: {  	[smem:$0x3FB7] =	sst s10  }
0x32: {  	s10 =	sld [smem:$0x3FB5];
	_ =	sdelay $0x3  }
0x33: {  	p0 =	seq.s32 s10, $0x1;
	s10 =	sld [smem:$0x3FB7];
	_ =	sdelay $0x3  }
0x34: {  	[smem:$0x3FB7] =	sst s10  }
0x35: {  	s10 =	sld [smem:$0x3FB6];
	_ =	sdelay $0x3  }
0x36: {  	p1 =	seq.s32 s10, $0x1;
	s10 =	sld [smem:$0x3FB7];
	_ =	sdelay $0x3  }
0x37: {  	[smem:$0x3FB7] =	sst s10  }
0x38: {  	s10 =	sld [smem:$0x3FB8]  }
0x39: {  	_ = 	snop;
	(pc) =	sbr.ind lr, $3  }
0x3a: {  	_ = 	snop  }
0x3b: {  	_ = 	snop  }
0x3c: {  	p2 =	seq.s32 s10, $0x1;
	s10 =	sld [smem:$0x3FB7]  }
0x3d: {  	_ =	shalt  }
0x3e: {  	_ =	shalt  }
0x3f: {  	_ =	shalt  }
0x40: {  	_ =	shalt  }
0x41: {  	_ =	shalt  }
0x42: {  	_ =	shalt  }
0x43: {  	_ =	shalt  }
0x44: {  	_ =	shalt  }
0x45: {  	_ =	shalt  }
0x46: {  	_ =	shalt  }
0x47: {  	_ =	shalt  }
0x48: {  	_ =	shalt  }
0x49: {  	_ =	shalt  }
0x4a: {  	_ =	shalt  }
0x4b: {  	_ =	shalt  }
0x4c: {  	_ =	shalt  }
0x4d: {  	_ =	shalt  }
0x4e: {  	_ =	shalt  }
0x4f: {  	_ =	shalt  }
0x50: {  	_ =	shalt  }
0x51: {  	_ =	shalt  }
0x52: {  	_ =	shalt  }
0x53: {  	_ =	shalt  }
0x54: {  	_ =	shalt  }
0x55: {  	_ =	shalt  }
0x56: {  	_ =	shalt  }
0x57: {  	_ =	shalt  }
0x58: {  	_ =	shalt  }
0x59: {  	_ =	shalt  }
0x5a: {  	_ =	shalt  }
0x5b: {  	_ =	shalt  }
0x5c: {  	_ =	shalt  }
0x5d: {  	_ =	shalt  }
0x5e: {  	_ =	shalt  }
0x5f: {  	_ =	shalt  }
0x60: {  	_ =	shalt  }
0x61: {  	_ =	shalt  }
0x62: {  	_ =	shalt  }
0x63: {  	_ =	shalt  }
0x64: {  	_ =	shalt  }
0x65: {  	_ =	shalt  }
0x66: {  	_ =	shalt  }
0x67: {  	_ =	shalt  }
0x68: {  	_ =	shalt  }
0x69: {  	_ =	shalt  }
0x6a: {  	_ =	shalt  }
0x6b: {  	_ =	shalt  }
0x6c: {  	_ =	shalt  }
0x6d: {  	_ =	shalt  }
0x6e: {  	_ =	shalt  }
0x6f: {  	_ =	shalt  }
0x70: {  	_ =	shalt  }
0x71: {  	_ =	shalt  }
0x72: {  	_ =	shalt  }
0x73: {  	_ =	shalt  }
0x74: {  	_ =	shalt  }
0x75: {  	_ =	shalt  }
0x76: {  	_ =	shalt  }
0x77: {  	_ =	shalt  }
0x78: {  	_ =	shalt  }
0x79: {  	_ =	shalt  }
0x7a: {  	_ =	shalt  }
0x7b: {  	_ =	shalt  }
0x7c: {  	_ =	shalt  }
0x7d: {  	_ =	shalt  }
0x7e: {  	_ =	shalt  }
0x7f: {  	_ =	shalt  }
0x80: {  	_ =	shalt  }
0x81: {  	_ =	shalt  }
0x82: {  	_ =	shalt  }
0x83: {  	_ =	shalt  }
0x84: {  	_ =	shalt  }
0x85: {  	_ =	shalt  }
0x86: {  	_ =	shalt  }
0x87: {  	_ =	shalt  }
.Lfunc_end0:
.L_simem_size_0:
called_computation_lowered:
.L_overlay_start_0:
0x88: {  	s2 =	sld [smem:$0x3FD9]  }
0x89: {  	s3 =	sld [smem:$0x3FFE];
	_ =	sdelay $0x1  }
0x8a: {  	s1 =	srdreg.scid  }
0x8b: {  	s0 =	sand.u32 $0x1, s1  }
0x8c: {  	s16 =	sshll.u32 s0, $0xA;
	s2 =	sadd.s32 s3, s2  }
0x8d: {  	s2 =	sadd.s32 s2, s16  }
0x8e: {  	[smem:$0x3FC3] =	sst s2  }
0x8f: {  	_ = 	snop  }
0x90: {  	(tm) =	ssettm $0x1  }
0x91: {  	s17 =	sld [smem:$0x3FFB];
	_ =	sdelay $0x3  }
0x92: {  	_ =	strace s17  }
0x93: {  	s2 =	sld [smem:$0x3FFC];
	_ =	sdelay $0x3  }
0x94: {  	_ =	strace s2  }
0x95: {  	s2 =	sld [smem:$0x3FFD];
	_ =	sdelay $0x3  }
0x96: {  	_ =	strace s2  }
0x97: {  	_ =	strace $0x8FFFFFFF  }
0x98: {  	s18 =	sld [smem:$0x3FDB];
	_ =	sdelay $0x1  }
0x99: {  	s19 =	simm.s32 $_scs_section_size  }
0x9a: {  	s4 =	simm.s32 $_size__tile_overlayer_lowered;
	s5 =	simm.s32 $_tile_overlayer_lowered  }
0x9b: {  	s22 =	simm.s32 $0x1BFF;
	s21 =	sshll.u32 s5, $0x1;
	s2 =	sadd.s32 s19, s18  }
0x9c: {  	s6 =	simm.s32 $0x0;
	s20 =	sshll.u32 s4, $0x1;
	s4 =	sadd.s32 s21, s2  }
0x9d: {  	[timem:s6], [sflag:s22] =	dma.local [hbm:s4], s20  }
0x9e: {  	_ =	swait.ge [sflag:s22], s20  }
0x9f: {  	s3 =	ssub.s32 $0x0, s20;
	[sflag:s22] =	ssyncset.done $0x0  }
0xa0: {  	[sflag:s22] =	ssyncadd.s32 s3;
	_ =	sdelay $0x1  }
0xa1: {  	s23 =	simm.s32 $0x1B8B  }
0xa2: {  	_ =	swait.ge [sflag:s23], $0x1  }
0xa3: {  	[sflag:s23] =	ssyncset.done $0x0  }
0xa4: {  	s25 =	simm.s32 $0x1B8E;
	s24 =	sld [smem:$0x3FFE];
	[sflag:s23] =	ssyncadd.s32 $0xFFFFFFFF  }
0xa5: {  	s26 =	simm.s32 $execute0_lowered;
	[smem:$0x3FD2] =	sst s25  }
0xa6: {  	s4 =	sshll.u32 s26, $0x1;
	_ =	strace $0x80000046;
	[dreg:$0x1] =	wrdreg $0xFFFFFFFF  }
0xa7: {  	s28 =	simm.s32 $_size_execute0_lowered;
	s2 =	sadd.s32 s2, s4;
	[dreg:$0x0] =	wrdreg $0x0  }
0xa8: {  	s4 =	sshll.u32 s28, $0x1;
	[dreg:$0x2] =	wrdreg s2  }
0xa9: {  	[dreg:$0x3] =	wrdreg s4  }
0xaa: {  	[dreg:$0x4] =	wrdreg $0xC0  }
0xab: {  	_ =	task [dreg:s6], $0x5FFFF  }
0xac: {  	[dreg:$0x1] =	wrdreg $0xFFFFFFFF  }
0xad: {  	[dreg:$0x0] =	wrdreg $0x60  }
0xae: {  	[dreg:$0x2] =	wrdreg s24  }
0xaf: {  	[dreg:$0x3] =	wrdreg $0x9  }
0xb0: {  	_ =	task.clear_ibuf [dreg:s6], $0x4FFFF;
	_ =	strace $0x90000046  }
0xb1: {  	s29 =	simm.s32 $0x9;
	_ =	strace $0x80000048  }
0xb2: {  	_ =	swait.ge [sflag:s29], $0x1  }
0xb3: {  	[sflag:s29] =	ssyncadd.s32 $0xFFFFFFFF  }
0xb4: {  	_ =	strace $0x90000048  }
0xb5: {  	_ =	sfence  }
0xb6: {  	s30 =	sld [smem:$0x0];
	_ =	sdelay $0x2  }
0xb7: {  	s31 =	sshll.u32 s1, $0xD;
	s1 =	sshrl.u32 s1, $0x2  }
0xb8: {  	s3 =	sand.u32 $0x4000, s31;
	s1 =	sadd.s32 s1, s30  }
0xb9: {  	s0 =	sor.u32 s3, s0;
	s1 =	sshll.u32 s1, $0x11  }
0xba: {  	s0 =	sor.u32 s1, s0  }
0xbb: {  	s0 =	sadd.s32 $0x8F2B, s0  }
0xbc: {  	[sflag:s0] =	ssyncadd.remote.s32 $0x1  }
0xbd: {  	_ =	sfence.sel $0xFFFF  }
0xbe: {  	[dreg:$0x0] =	wrdreg $0xFFFFFFFF;
	(pc) =	sbr.abs _section_cstart, $3  }
0xbf: {  	[dreg:$0x1] =	wrdreg $0xFFFFFFFF  }
0xc0: {  	_ =	task.clear_ibuf [dreg:s6], $0x2FFFF;
	_ =	strace $0x9FFFFFFF  }
0xc1: {  	(tm) =	ssettm $0x7FFFFFFF  }
tec
execute0_lowered:
.L_overlay_start_1:
0x0: {  	(tag) =	ssettag $0x1  }
0x1: {  	s1 =	srdreg.scid  }
0x2: {  	s0 =	stileid.u32;
	s10 =	rddreg [dreg:$0x0];
	s11 =	sand.u32 $0x1, s1  }
0x3: {  	s2 =	sshll.u32 s0, $0x1;
	s1 =	rddreg [dreg:$0x1];
	s4 =	sshrl.u32 s0, $0x2  }
0x4: {  	s12 =	sor.u32 s11, s2;
	s2 =	simm.s32 $0x0;
	s6 =	sshll.u32 s4, $0x8  }
0x5: {  	s4 =	smul.u32 $0x700, s4;
	s3 =	sshll.u32 s12, $0x1;
	s5 =	sshll.u32 s12, $0x5  }
0x6: {  	[smem:$0x7FF] =	sst s2;
	s3 =	sadd.s32 s3, s10;
	s5 =	ssub.s32 s5, s6  }
0x7: {  	v0 =	vlaneseq.u32;
	_ =	strace $0x80000047;
	s3 =	sadd.s32 $0xE00, s3;
	s4 =	sadd.s32 s5, s4  }
0x8: {  	v1 =	vand.u32 $0x1, v0;
	v0 =	vshrl.u32 v0, $0x1;
	s5 =	simm.s32 $0x100;
	s30 =	sadd.s32 $0x310, s4;
	s4 =	simm.s32 $0x2  }
0x9: {  	v1 =	vmul.u32 $0x10000, v1;
	v0 =	vmul.u32 $0x20, v0;
	[tilespmem:s5], [sflag:$0x2] =	stream.linear.gather [hbm4b:s3+s2], $0x10, $0x38;
	v2 =	vmov s30;
	[tilespmem:$0x200] =	vst v63  }
0xa: {  	_ =	swait.ge [sflag:s4], $0x10;
	v2 =	vshll.u32 v2, $0x8  }
0xb: {  	v0 =	vor.u32 $0x10, v0;
	[sflag:s4] =	ssyncset.done $0x0;
	v1 =	vadd.s32 v1, v2  }
0xc: {  	s7 =	simm.s32 $0x10;
	[sflag:s4] =	ssyncadd.s32 $0xFFFFFFF0;
	v0 =	vor.u32 v0, v1  }
0xd: {  	s8 =	simm.s32 $0x80;
	s9 =	simm.s32 $0x1;
	s6 =	sadd.s32 $0x1000, s10;
	[tilespmem:$0x0] =	vst v0  }
0xe: {  	[tilespmem:s8], [sflag:$0x1] =	stream.indirect.gather [hbm4b:s6+s7], $0x1, s2, s7, $0xb8;
	[tilespmem:$0x200] =	vst v63  }
0xf: {  	_ =	swait.ge [sflag:s9], $0x10  }
0x10: {  	[sflag:s9] =	ssyncset.done $0x0  }
0x11: {  	[sflag:s9] =	ssyncadd.s32 $0xFFFFFFF0  }
0x12: {  	v1 =	vld [tilespmem:$0x80];
	_ =	sdelay $0x4  }
0x13: {  	v2 =	vadd.f32 $9.999999930e-09, v1;
	_ =	sdelay $0x1  }
0x14: {  	(erf) = vrcp.f32 v2;
	_ =	sdelay $0x1  }
0x15: {  	v2 =	vld [tilespmem:$0x100];
	_ =	sdelay $0x3  }
0x16: {  	s11 =	ssub.s32 $0x2, s11  }
0x17: {  	s13 =	sshrl.u32 s11, $0x1;
	v1 =	vsub.f32 v1, v2  }
0x18: {  	s11 =	ssub.s32 s11, s13  }
0x19: {  	s31 =	smax.u32 s11, $0x1;
	v1 =	vand.u32 $0x7FFFFFFF, v1;
	v2 =	vpop (erf)  }
0x1a: {  	s12 =	sshll.u32 s12, $0x4;
	p0 =	sne.s32 s31, $0x1;
	v1 =	vmul.f32 v1, v2  }
.Ltmp0:
0x1b: {  	s10 =	sadd.s32 s12, s10;
	(pc) =	sbr.rel @!p0 .LBB2_2-.Ltmp0, $4  }
0x1c: {  	s10 =	sadd.s32 $0x39000, s10;
	s11 =	simm.s32 $0x180;
	[tilespmem:$0x180] =	vst v1  }
0x1d: {  	[hbm4b:s10+s2] =	stream.linear.scatter [tilespmem:s11], [sflag:$0x2], $0x80, $0x38;
	[tilespmem:$0x200] =	vst v63  }
0x1e: {  	_ =	swait.ge [sflag:s4], $0x80  }
0x1f: {  	s12 =	sadd.s32 $0xFFFFFFFF, s31;
	[sflag:s4] =	ssyncset.done $0x0  }
.LBB2_1:
0x20: {  	p0 =	sne.s32 s12, $0x1;
	s12 =	sadd.s32 $0xFFFFFFFF, s12;
	[sflag:s4] =	ssyncadd.s32 $0xFFFFFF80  }
0x21: {  	[tilespmem:s5], [sflag:$0x2] =	stream.linear.gather [hbm4b:s3+s2], $0x10, $0x38;
	[tilespmem:$0x200] =	vst v63  }
0x22: {  	_ =	swait.ge [sflag:s4], $0x10  }
0x23: {  	[sflag:s4] =	ssyncset.done $0x0  }
0x24: {  	[sflag:s4] =	ssyncadd.s32 $0xFFFFFFF0  }
0x25: {  	[tilespmem:$0x0] =	vst v0  }
0x26: {  	[tilespmem:s8], [sflag:$0x1] =	stream.indirect.gather [hbm4b:s6+s7], $0x1, s2, s7, $0xb8;
	[tilespmem:$0x200] =	vst v63  }
0x27: {  	_ =	swait.ge [sflag:s9], $0x10  }
0x28: {  	[sflag:s9] =	ssyncset.done $0x0  }
0x29: {  	[sflag:s9] =	ssyncadd.s32 $0xFFFFFFF0  }
0x2a: {  	v1 =	vld [tilespmem:$0x80]  }
0x2b: {  	v2 =	vld [tilespmem:$0x100];
	_ =	sdelay $0x3  }
0x2c: {  	v3 =	vadd.f32 $9.999999930e-09, v1  }
0x2d: {  	v1 =	vsub.f32 v1, v2  }
0x2e: {  	(erf) = vrcp.f32 v3;
	_ =	sdelay $0x8  }
0x2f: {  	v1 =	vand.u32 $0x7FFFFFFF, v1;
	v2 =	vpop (erf)  }
0x30: {  	v1 =	vmul.f32 v1, v2  }
.Ltmp1:
0x31: {  	(pc) =	sbr.rel @p0 .LBB2_1-.Ltmp1, $4  }
0x32: {  	[tilespmem:$0x180] =	vst v1  }
0x33: {  	[hbm4b:s10+s2] =	stream.linear.scatter [tilespmem:s11], [sflag:$0x2], $0x80, $0x38;
	[tilespmem:$0x200] =	vst v63  }
0x34: {  	_ =	swait.ge [sflag:s4], $0x80  }
0x35: {  	[sflag:s4] =	ssyncset.done $0x0  }
.LBB2_2:
0x36: {  	[sflag:s4] =	ssyncadd.s32 $0xFFFFFF80  }
0x37: {  	_ =	sfence.sel $0x180000  }
0x38: {  	[bflag:$0x0] =	sbarrier.arrive $0xFFFF  }
0x39: {  	p0 =	sne.s32 s0, $0x0;
	_ =	strace $0x90000047  }
0x3a: {  	s0 =	sadd.s32 @!p0 $0x100000, s1;
	[bflag:$0x2] =	sbarrier.arrive $0xFFFF  }
0x3b: {  	[sflag:s0] =	ssyncadd.tile.s32 @!p0 $0x1;
	_ =	shalt  }
.Lfunc_end2:
_tile_overlayer_lowered:
.L_overlay_start_2:
0x3c: {  	(tag) =	ssettag $0x2  }
0x3d: {  	s0 =	rddreg [dreg:$0x0];
	s2 =	stileid.u32  }
0x3e: {  	s1 =	rddreg [dreg:$0x1];
	p0 =	sne.s32 s2, $0x0  }
0x3f: {  	s3 =	rddreg [dreg:$0x2];
	[bflag:$0x3] =	sbarrier.arrive $0xFFFF;
	s2 =	simm.s32 @!p0 $0x1C02  }
0x40: {  	[timem:s3], [sflag:s2] =	dma.local @!p0 [hbm:s0], s1  }
0x41: {  	s0 =	simm.s32 @!p0 $0x2  }
0x42: {  	_ =	swait.ge @!p0 [sflag:s0], s1  }
0x43: {  	s1 =	ssub.s32 @!p0 $0x0, s1;
	[sflag:s0] =	ssyncset.done @!p0 $0x0  }
0x44: {  	[sflag:s0] =	ssyncadd.s32 @!p0 s1  }
0x45: {  	[bflag:$0x3] =	sbarrier.arrive $0xFFFF  }
0x46: {  	_ =	shalt  }

</sc_bundles>
